<compile_context>
chip_gen: v7x
topology: tpu7x:2x2x1
jax: 0.10.2.dev20260603
libtpu: 0.0.44.dev20260713+nightly
codegen_flags: <defaults>
</compile_context>

<pallas_src>
import functools

import jax
import jax.numpy as jnp
from jax import lax
from jax.experimental import pallas as pl
from jax.experimental.pallas import tpu as pltpu
from jax.experimental.pallas import tpu_sc as plsc

CAT = 26
VOCAB = 1000
EDIM = 50
DPAD = 64
NCONT = 13
B = 4096
EPS = 1e-5

NC = 2
NS = 16
NW = NC * NS
ROWS = B * CAT
RPW = ROWS // NW
CHUNK = 128
NCHUNK = RPW // CHUNK
KG = CAT * DPAD


TROWS = CAT * VOCAB


@functools.cache
def _make_sc_gather(nrows):
    rpw = nrows // NW
    nchunk = rpw // CHUNK
    mesh = plsc.VectorSubcoreMesh(core_axis_name="c", subcore_axis_name="s",
                                  num_cores=NC, num_subcores=NS)

    def body(xcat_hbm, table_hbm, out_hbm, *rest):
        xcat_v, idx_v, rows_v, gsem, osem = rest
        wid = lax.axis_index("s") * NC + lax.axis_index("c")
        base = wid * rpw
        pltpu.sync_copy(xcat_hbm.at[pl.ds(base, rpw)], xcat_v)
        lanes = lax.iota(jnp.int32, 16)

        def compute_idx(c, p):
            @pl.loop(0, CHUNK // 16)
            def _vec(j):
                pos = c * CHUNK + j * 16
                xv = xcat_v[pl.ds(pos, 16)]
                fld = lax.rem(pos + lanes, CAT)
                idx_v[p, pl.ds(j * 16, 16)] = xv + VOCAB * fld

        def gather(c, p):
            pltpu.async_copy(table_hbm.at[idx_v.at[p]], rows_v.at[p], gsem.at[p])

        def gather_wait(p):
            pltpu.make_async_copy(table_hbm.at[idx_v.at[p]], rows_v.at[p],
                                  gsem.at[p]).wait()

        def out_slice(c):
            return out_hbm.at[pl.ds(base + c * CHUNK, CHUNK)]

        def copy_out(c, p):
            pltpu.async_copy(rows_v.at[p], out_slice(c), osem.at[p])

        def copy_out_wait(c, p):
            pltpu.make_async_copy(rows_v.at[p], out_slice(c), osem.at[p]).wait()

        compute_idx(0, 0)
        gather(0, 0)

        @pl.loop(0, nchunk)
        def _chunk(c):
            p = lax.rem(c, 2)
            q = 1 - p
            gather_wait(p)
            copy_out(c, p)

            @pl.when(c + 1 < nchunk)
            def _next():
                compute_idx(c + 1, q)

                @pl.when(c >= 1)
                def _free():
                    copy_out_wait(c - 1, q)

                gather(c + 1, q)

        copy_out_wait(nchunk - 1, lax.rem(nchunk - 1, 2))
        copy_out_wait(nchunk - 2, lax.rem(nchunk - 2, 2))

    return functools.partial(
        pl.kernel,
        out_type=jax.ShapeDtypeStruct((nrows, DPAD), jnp.float32),
        mesh=mesh,
        scratch_types=[
            pltpu.VMEM((rpw,), jnp.int32),
            pltpu.VMEM((2, CHUNK), jnp.int32),
            pltpu.VMEM((2, CHUNK, DPAD), jnp.float32),
            pltpu.SemaphoreType.DMA((2,)),
            pltpu.SemaphoreType.DMA((2,)),
        ],
        compiler_params=pltpu.CompilerParams(use_tc_tiling_on_sc=False),
    )(body)


TILE = 512


def _mlp_body(xg_ref, xc_ref, g0_ref, b0_ref,
              w1g_ref, w1c_ref, b1_ref, g1_ref, t1_ref,
              w2_ref, b2_ref, g2_ref, t2_ref,
              w3_ref, b3_ref, g3_ref, t3_ref,
              w4_ref, b4_ref, out_ref):
    cbn = 1.0 / jnp.sqrt(1.0 + EPS)
    dn = (((1,), (1,)), ((), ()))
    bf = jnp.bfloat16

    def mm(a, w):
        return lax.dot_general(a.astype(bf), w, dn,
                               preferred_element_type=jnp.float32)

    xc = xc_ref[:] * (g0_ref[:] * cbn) + b0_ref[:]
    h = mm(xg_ref[:], w1g_ref[:]) + mm(xc, w1c_ref[:])
    h = jnp.maximum(h + b1_ref[:], 0.0) * (g1_ref[:] * cbn) + t1_ref[:]
    h = jnp.maximum(mm(h, w2_ref[:]) + b2_ref[:], 0.0) * (g2_ref[:] * cbn) + t2_ref[:]
    h = jnp.maximum(mm(h, w3_ref[:]) + b3_ref[:], 0.0) * (g3_ref[:] * cbn) + t3_ref[:]
    out_ref[:] = jnp.sum(h * w4_ref[:], axis=1, keepdims=True) + b4_ref[:]


def _full(shape):
    return pl.BlockSpec(shape, lambda i: (0, 0))


NSPLIT = 2


def kernel(x_cat, x_cont, emb, g0, b0, W1, bias1, g1, bt1, W2, bias2, g2, bt2,
           W3, bias3, g3, bt3, W4, bias4):
    f32 = jnp.float32
    bf = jnp.bfloat16
    xcat_flat = x_cat.astype(jnp.int32).reshape(ROWS)
    emb2d = emb.reshape(TROWS, EDIM)

    w1g = jnp.pad(W1[:, :CAT * EDIM].reshape(-1, CAT, EDIM),
                  ((0, 0), (0, 0), (0, DPAD - EDIM))).reshape(-1, KG).astype(bf)
    w1c = W1[:, CAT * EDIM:].astype(bf)
    H1, H2, H3 = W1.shape[0], W2.shape[0], W3.shape[0]
    row = lambda v: v.reshape(1, -1)

    table = jnp.pad(emb2d, ((0, 0), (0, DPAD - EDIM)))
    bh = B // NSPLIT
    rh = ROWS // NSPLIT
    gather = _make_sc_gather(rh)
    outs = []
    for k in range(NSPLIT):
        xk = lax.dynamic_slice_in_dim(xcat_flat, k * rh, rh)
        xg = gather(xk, table).reshape(bh, KG)
        xck = lax.dynamic_slice_in_dim(x_cont, k * bh, bh)
        outs.append(pl.pallas_call(
            _mlp_body,
            grid=(bh // TILE,),
            in_specs=[
                pl.BlockSpec((TILE, KG), lambda i: (i, 0)),
                pl.BlockSpec((TILE, NCONT), lambda i: (i, 0)),
                _full((1, NCONT)), _full((1, NCONT)),
                _full((H1, KG)), _full((H1, NCONT)),
                _full((1, H1)), _full((1, H1)), _full((1, H1)),
                _full((H2, H1)), _full((1, H2)), _full((1, H2)), _full((1, H2)),
                _full((H3, H2)), _full((1, H3)), _full((1, H3)), _full((1, H3)),
                _full((1, H3)), _full((1, 1)),
            ],
            out_specs=pl.BlockSpec((TILE, 1), lambda i: (i, 0)),
            out_shape=jax.ShapeDtypeStruct((bh, 1), f32),
        )(xg, xck, row(g0), row(b0),
          w1g, w1c, row(bias1), row(g1), row(bt1),
          W2.astype(bf), row(bias2), row(g2), row(bt2),
          W3.astype(bf), row(bias3), row(g3), row(bt3),
          W4, bias4.reshape(1, 1)))
    return jnp.concatenate(outs, axis=0)

# --- scband reference (transcript-rebuilt; emitter-appended) ---
"""Pipeline reference for scband-used-car-price-prediction-nn-41497974014393 (READ-ONLY COPY).

The authoritative reference and input builder live on the scoring server;
editing this copy changes nothing except your own understanding.
"""

import jax, jax.numpy as jnp
import numpy as np

CAT = 26
VOCAB = 1000
EDIM = 50
NCONT = 13
B = 4096
LAYERS = [1024, 512, 256]
OUT = 1
EPS = 1e-5


def _bn(x, g, b):
    # eval-mode BatchNorm1d: running_mean=0, running_var=1
    return x / jnp.sqrt(1.0 + EPS) * g + b


def setup_inputs(seed: int = 0):
    key = jax.random.key(seed)
    ks = [jax.random.fold_in(key, i) for i in range(40)]
    inp = {}
    inp["x_cat"] = jax.random.randint(ks[0], (B, CAT), 0, VOCAB)
    inp["x_cont"] = jax.random.normal(ks[1], (B, NCONT), dtype=jnp.float32)
    inp["emb"] = jax.random.normal(ks[2], (CAT, VOCAB, EDIM), dtype=jnp.float32) * 0.05
    inp["g0"] = jnp.ones((NCONT,), jnp.float32)
    inp["b0"] = jnp.zeros((NCONT,), jnp.float32)
    n_in = CAT * EDIM + NCONT
    k = 3
    for li, h in enumerate(LAYERS, start=1):
        inp[f"W{li}"] = jax.random.normal(ks[k], (h, n_in), dtype=jnp.float32) * (1.0 / np.sqrt(n_in))
        k += 1
        inp[f"bias{li}"] = jnp.zeros((h,), jnp.float32)
        inp[f"g{li}"] = jnp.ones((h,), jnp.float32)
        inp[f"bt{li}"] = jnp.zeros((h,), jnp.float32)
        n_in = h
    inp["W4"] = jax.random.normal(ks[k], (OUT, n_in), dtype=jnp.float32) * (1.0 / np.sqrt(n_in))
    inp["bias4"] = jnp.zeros((OUT,), jnp.float32)
    return inp


def reference(x_cat, x_cont, emb, g0, b0, W1, bias1, g1, bt1, W2, bias2, g2, bt2, W3, bias3, g3, bt3, W4, bias4):
    # per-field embedding lookup, then concat
    embs = [emb[i][x_cat[:, i]] for i in range(CAT)]
    x = jnp.concatenate(embs, axis=1)
    # dropout is identity in eval mode
    xc = _bn(x_cont, g0, b0)
    x = jnp.concatenate([x, xc], axis=1)
    for W, bb, g, bt in ((W1, bias1, g1, bt1), (W2, bias2, g2, bt2), (W3, bias3, g3, bt3)):
        x = jnp.maximum(x @ W.T + bb, 0.0)
        x = _bn(x, g, bt)
    return x @ W4.T + bias4

if __name__ == "__main__":
    import jax
    _d = setup_inputs()
    print(jax.jit(kernel)(*tuple(_d.values())))

</pallas_src>

<mosaic_0001>
#map = affine_map<(d0, d1) -> (0)>
#map1 = affine_map<(d0, d1) -> (0, 0)>
module attributes {stable_mosaic.version = 14 : i64} {
  func.func @body(%arg0: i32, %arg1: i32, %arg2: memref<53248xi32, #tpu.memory_space<hbm>>, %arg3: memref<26000x64xf32, #tpu.memory_space<hbm>>, %arg4: memref<53248x64xf32, #tpu.memory_space<hbm>>, %arg5: memref<1664xi32, #tpu.memory_space<vmem>>, %arg6: memref<2x128xi32, #tpu.memory_space<vmem>>, %arg7: memref<2x128x64xf32, #tpu.memory_space<vmem>>, %arg8: memref<2x!tpu.dma_semaphore, #tpu.memory_space<semaphore_mem>>, %arg9: memref<2x!tpu.dma_semaphore, #tpu.memory_space<semaphore_mem>>) attributes {dimension_semantics = [#tpu.dimension_semantics<core_parallel>, #tpu.dimension_semantics<subcore_parallel>], iteration_bounds = array<i64: 2, 16>, scalar_prefetch = 0 : i64, scratch_operands = 5 : i64, tpu.core_type = #tpu.core_type<sc_vector_subcore>, window_params = [{transform_indices = #map}, {transform_indices = #map1}, {transform_indices = #map1}]} {
    %mul3A = arith.constant 2 : i32
    %mul3A_0 = arith.muli %arg1, %mul3A : i32
    %add3A = arith.addi %mul3A_0, %arg0 : i32
    %mul3A_1 = arith.constant 1664 : i32
    %mul3A_2 = arith.muli %add3A, %mul3A_1 : i32
    "tpu.region"() ({
      %run_scoped3A = tpu.sem_alloc : memref<!tpu.dma_semaphore, #tpu.memory_space<semaphore_mem>>
      %dma_start3A_62 = tpu.memref_slice %arg2[%mul3A_2] : memref<53248xi32, #tpu.memory_space<hbm>> -> memref<1664xi32, #tpu.memory_space<hbm>>
      %dma_start3A_63 = tpu.memref_slice %arg2[%mul3A_2] : memref<53248xi32, #tpu.memory_space<hbm>> -> memref<1664xi32, #tpu.memory_space<hbm>>
      tpu.enqueue_dma source(%dma_start3A_63 : memref<1664xi32, #tpu.memory_space<hbm>>) target(%arg5 : memref<1664xi32, #tpu.memory_space<vmem>>) target_semaphore(%run_scoped3A : memref<!tpu.dma_semaphore, #tpu.memory_space<semaphore_mem>>)
      %dma_wait3A_64 = tpu.memref_slice %arg2[%mul3A_2] : memref<53248xi32, #tpu.memory_space<hbm>> -> memref<1664xi32, #tpu.memory_space<hbm>>
      %dma_wait3A_65 = tpu.memref_slice %arg2[%mul3A_2] : memref<53248xi32, #tpu.memory_space<hbm>> -> memref<1664xi32, #tpu.memory_space<hbm>>
      tpu.wait_dma2 semaphore(%run_scoped3A : memref<!tpu.dma_semaphore, #tpu.memory_space<semaphore_mem>>) src(%dma_wait3A_65 : memref<1664xi32, #tpu.memory_space<hbm>>) dst(%arg5 : memref<1664xi32, #tpu.memory_space<vmem>>)
      tpu.yield
    }) : () -> ()
    %iota3A = tpu.iota {dimensions = array<i32: 0>} : vector<16xi32>
    %scan3A = arith.constant 0 : i32
    %scan3A_3 = arith.constant 8 : i32
    %scan3A_4 = arith.addi %scan3A, %scan3A_3 : i32
    %scan3A_5 = arith.constant 1 : i32
    scf.for %scan3A_62 = %scan3A to %scan3A_4 step %scan3A_5  : i32 {
      %mul3A_63 = arith.constant 1 : i32
      %mul3A_64 = arith.muli %scan3A_62, %mul3A_63 : i32
      %add3A_65 = arith.constant 0 : i32
      %add3A_66 = arith.addi %add3A_65, %mul3A_64 : i32
      %mul3A_67 = arith.constant 16 : i32
      %mul3A_68 = arith.muli %add3A_66, %mul3A_67 : i32
      %add3A_69 = arith.constant 0 : i32
      %add3A_70 = arith.addi %add3A_69, %mul3A_68 : i32
      %get3A = arith.index_cast %add3A_70 : i32 to index
      %get3A_71 = tpu.vector_load %arg5[%get3A] {strides = array<i32>} : memref<1664xi32, #tpu.memory_space<vmem>>, vector<16xi32>,
      %get3A_72 = vector.shape_cast %get3A_71 : vector<16xi32> to vector<16xi32>
      %add3A_73 = vector.broadcast %add3A_70 : i32 to vector<16xi32>
      %add3A_74 = arith.addi %add3A_73, %iota3A : vector<16xi32>
      %rem3A_75 = arith.constant 26 : i32
      %rem3A_76 = vector.broadcast %rem3A_75 : i32 to vector<16xi32>
      %rem3A_77 = arith.remsi %add3A_74, %rem3A_76 : vector<16xi32>
      %mul3A_78 = arith.constant 1000 : i32
      %mul3A_79 = vector.broadcast %mul3A_78 : i32 to vector<16xi32>
      %mul3A_80 = arith.muli %mul3A_79, %rem3A_77 : vector<16xi32>
      %add3A_81 = arith.addi %get3A_72, %mul3A_80 : vector<16xi32>
      %mul3A_82 = arith.constant 16 : i32
      %mul3A_83 = arith.muli %add3A_66, %mul3A_82 : i32
      %swap3A = arith.constant 0 : i32
      %swap3A_84 = arith.index_cast %swap3A : i32 to index
      %swap3A_85 = arith.index_cast %mul3A_83 : i32 to index
      %swap3A_86 = tpu.vector_load %arg6[%swap3A_84, %swap3A_85] {strides = array<i32>} : memref<2x128xi32, #tpu.memory_space<vmem>>, vector<1x16xi32>,
      %swap3A_87 = vector.shape_cast %swap3A_86 : vector<1x16xi32> to vector<16xi32>
      %swap3A_88 = vector.shape_cast %add3A_81 : vector<16xi32> to vector<1x16xi32>
      tpu.vector_store %arg6[%swap3A_84, %swap3A_85], %swap3A_88 {strides = array<i32>} : memref<2x128xi32, #tpu.memory_space<vmem>>, vector<1x16xi32>,
    }
    %scan3A_6 = arith.constant 8 : i32
    %dma_start3A = arith.constant 0 : i32
    %dma_start3A_7 = arith.constant 0 : i32
    %dma_start3A_8 = arith.constant 0 : i32
    %dma_start3A_9 = arith.constant 0 : i32
    %dma_start3A_10 = arith.constant 0 : i32
    %dma_start3A_11 = tpu.memref_slice %arg7[%dma_start3A_7, %dma_start3A_9, %dma_start3A_10] : memref<2x128x64xf32, #tpu.memory_space<vmem>> -> memref<1x128x64xf32, #tpu.memory_space<vmem>>
    %dma_start3A_12 = tpu.memref_squeeze %dma_start3A_11 : memref<1x128x64xf32, #tpu.memory_space<vmem>> -> memref<128x64xf32, #tpu.memory_space<vmem>>
    %dma_start3A_13 = arith.constant 0 : i32
    %dma_start3A_14 = tpu.memref_slice %arg6[%dma_start3A, %dma_start3A_13] : memref<2x128xi32, #tpu.memory_space<vmem>> -> memref<1x128xi32, #tpu.memory_space<vmem>>
    %dma_start3A_15 = tpu.memref_squeeze %dma_start3A_14 : memref<1x128xi32, #tpu.memory_space<vmem>> -> memref<128xi32, #tpu.memory_space<vmem>>
    %dma_start3A_16 = arith.constant 0 : i32
    %dma_start3A_17 = arith.constant 0 : i32
    %dma_start3A_18 = tpu.memref_slice %arg3[%dma_start3A_16, %dma_start3A_17] : memref<26000x64xf32, #tpu.memory_space<hbm>> -> memref<26000x64xf32, #tpu.memory_space<hbm>>
    %dma_start3A_19 = tpu.memref_slice %arg8[%dma_start3A_8] : memref<2x!tpu.dma_semaphore, #tpu.memory_space<semaphore_mem>> -> memref<1x!tpu.dma_semaphore, #tpu.memory_space<semaphore_mem>>
    %dma_start3A_20 = tpu.memref_squeeze %dma_start3A_19 : memref<1x!tpu.dma_semaphore, #tpu.memory_space<semaphore_mem>> -> memref<!tpu.dma_semaphore, #tpu.memory_space<semaphore_mem>>
    tpu.enqueue_indirect_dma source(%dma_start3A_18 : memref<26000x64xf32, #tpu.memory_space<hbm>>) target(%dma_start3A_12 : memref<128x64xf32, #tpu.memory_space<vmem>>) offsets(%dma_start3A_15 : memref<128xi32, #tpu.memory_space<vmem>>) semaphore(%dma_start3A_20 : memref<!tpu.dma_semaphore, #tpu.memory_space<semaphore_mem>>)
    %scan3A_21 = arith.constant 0 : i32
    %scan3A_22 = arith.constant 13 : i32
    %scan3A_23 = arith.addi %scan3A_21, %scan3A_22 : i32
    %scan3A_24 = arith.constant 1 : i32
    scf.for %scan3A_62 = %scan3A_21 to %scan3A_23 step %scan3A_24  : i32 {
      %mul3A_63 = arith.constant 1 : i32
      %mul3A_64 = arith.muli %scan3A_62, %mul3A_63 : i32
      %add3A_65 = arith.constant 0 : i32
      %add3A_66 = arith.addi %add3A_65, %mul3A_64 : i32
      %rem3A_67 = arith.constant 2 : i32
      %rem3A_68 = arith.remsi %add3A_66, %rem3A_67 : i32
      %sub3A = arith.constant 1 : i32
      %sub3A_69 = arith.subi %sub3A, %rem3A_68 : i32
      %dma_wait3A_70 = arith.constant 0 : i32
      %dma_wait3A_71 = arith.constant 0 : i32
      %dma_wait3A_72 = tpu.memref_slice %arg7[%rem3A_68, %dma_wait3A_70, %dma_wait3A_71] : memref<2x128x64xf32, #tpu.memory_space<vmem>> -> memref<1x128x64xf32, #tpu.memory_space<vmem>>
      %dma_wait3A_73 = tpu.memref_squeeze %dma_wait3A_72 : memref<1x128x64xf32, #tpu.memory_space<vmem>> -> memref<128x64xf32, #tpu.memory_space<vmem>>
      %dma_wait3A_74 = arith.constant 0 : i32
      %dma_wait3A_75 = tpu.memref_slice %arg6[%rem3A_68, %dma_wait3A_74] : memref<2x128xi32, #tpu.memory_space<vmem>> -> memref<1x128xi32, #tpu.memory_space<vmem>>
      %dma_wait3A_76 = tpu.memref_squeeze %dma_wait3A_75 : memref<1x128xi32, #tpu.memory_space<vmem>> -> memref<128xi32, #tpu.memory_space<vmem>>
      %dma_wait3A_77 = arith.constant 0 : i32
      %dma_wait3A_78 = arith.constant 0 : i32
      %dma_wait3A_79 = tpu.memref_slice %arg3[%dma_wait3A_77, %dma_wait3A_78] : memref<26000x64xf32, #tpu.memory_space<hbm>> -> memref<26000x64xf32, #tpu.memory_space<hbm>>
      %dma_wait3A_80 = tpu.memref_slice %arg8[%rem3A_68] : memref<2x!tpu.dma_semaphore, #tpu.memory_space<semaphore_mem>> -> memref<1x!tpu.dma_semaphore, #tpu.memory_space<semaphore_mem>>
      %dma_wait3A_81 = tpu.memref_squeeze %dma_wait3A_80 : memref<1x!tpu.dma_semaphore, #tpu.memory_space<semaphore_mem>> -> memref<!tpu.dma_semaphore, #tpu.memory_space<semaphore_mem>>
      tpu.wait_indirect_dma semaphore(%dma_wait3A_81 : memref<!tpu.dma_semaphore, #tpu.memory_space<semaphore_mem>>) src(%dma_wait3A_79 : memref<26000x64xf32, #tpu.memory_space<hbm>>) dst(%dma_wait3A_73 : memref<128x64xf32, #tpu.memory_space<vmem>>)
      %mul3A_82 = arith.constant 128 : i32
      %mul3A_83 = arith.muli %add3A_66, %mul3A_82 : i32
      %add3A_84 = arith.addi %mul3A_2, %mul3A_83 : i32
      %dma_start3A_85 = arith.constant 0 : i32
      %dma_start3A_86 = arith.constant 0 : i32
      %dma_start3A_87 = tpu.memref_slice %arg7[%rem3A_68, %dma_start3A_85, %dma_start3A_86] : memref<2x128x64xf32, #tpu.memory_space<vmem>> -> memref<1x128x64xf32, #tpu.memory_space<vmem>>
      %dma_start3A_88 = tpu.memref_squeeze %dma_start3A_87 : memref<1x128x64xf32, #tpu.memory_space<vmem>> -> memref<128x64xf32, #tpu.memory_space<vmem>>
      %dma_start3A_89 = arith.constant 0 : i32
      %dma_start3A_90 = tpu.memref_slice %arg4[%add3A_84, %dma_start3A_89] : memref<53248x64xf32, #tpu.memory_space<hbm>> -> memref<128x64xf32, #tpu.memory_space<hbm>>
      %dma_start3A_91 = tpu.memref_slice %arg9[%rem3A_68] : memref<2x!tpu.dma_semaphore, #tpu.memory_space<semaphore_mem>> -> memref<1x!tpu.dma_semaphore, #tpu.memory_space<semaphore_mem>>
      %dma_start3A_92 = tpu.memref_squeeze %dma_start3A_91 : memref<1x!tpu.dma_semaphore, #tpu.memory_space<semaphore_mem>> -> memref<!tpu.dma_semaphore, #tpu.memory_space<semaphore_mem>>
      %dma_start3A_93 = arith.constant 0 : i32
      %dma_start3A_94 = tpu.memref_slice %arg4[%add3A_84, %dma_start3A_93] : memref<53248x64xf32, #tpu.memory_space<hbm>> -> memref<128x64xf32, #tpu.memory_space<hbm>>
      %dma_start3A_95 = arith.constant 0 : i32
      %dma_start3A_96 = arith.constant 0 : i32
      %dma_start3A_97 = tpu.memref_slice %arg7[%rem3A_68, %dma_start3A_95, %dma_start3A_96] : memref<2x128x64xf32, #tpu.memory_space<vmem>> -> memref<1x128x64xf32, #tpu.memory_space<vmem>>
      %dma_start3A_98 = tpu.memref_squeeze %dma_start3A_97 : memref<1x128x64xf32, #tpu.memory_space<vmem>> -> memref<128x64xf32, #tpu.memory_space<vmem>>
      tpu.enqueue_dma source(%dma_start3A_98 : memref<128x64xf32, #tpu.memory_space<vmem>>) target(%dma_start3A_94 : memref<128x64xf32, #tpu.memory_space<hbm>>) target_semaphore(%dma_start3A_92 : memref<!tpu.dma_semaphore, #tpu.memory_space<semaphore_mem>>)
      %add3A_99 = arith.constant 1 : i32
      %add3A_100 = arith.addi %add3A_66, %add3A_99 : i32
      %lt3A = arith.constant 13 : i32
      %lt3A_101 = arith.cmpi slt, %add3A_100, %lt3A : i32
      %convert_element_type3A = arith.extui %lt3A_101 : i1 to i32
      %cond3A = arith.constant 0 : i32
      %cond3A_102 = arith.cmpi ne, %convert_element_type3A, %cond3A : i32
      scf.if %cond3A_102 {
        %add3A_103 = arith.constant 1 : i32
        %add3A_104 = arith.addi %add3A_66, %add3A_103 : i32
        %scan3A_105 = arith.constant 0 : i32
        %scan3A_106 = arith.constant 8 : i32
        %scan3A_107 = arith.addi %scan3A_105, %scan3A_106 : i32
        %scan3A_108 = arith.constant 1 : i32
        scf.for %scan3A_128 = %scan3A_105 to %scan3A_107 step %scan3A_108  : i32 {
          %mul3A_129 = arith.constant 1 : i32
          %mul3A_130 = arith.muli %scan3A_128, %mul3A_129 : i32
          %add3A_131 = arith.constant 0 : i32
          %add3A_132 = arith.addi %add3A_131, %mul3A_130 : i32
          %mul3A_133 = arith.constant 128 : i32
          %mul3A_134 = arith.muli %add3A_104, %mul3A_133 : i32
          %mul3A_135 = arith.constant 16 : i32
          %mul3A_136 = arith.muli %add3A_132, %mul3A_135 : i32
          %add3A_137 = arith.addi %mul3A_134, %mul3A_136 : i32
          %get3A = arith.index_cast %add3A_137 : i32 to index
          %get3A_138 = tpu.vector_load %arg5[%get3A] {strides = array<i32>} : memref<1664xi32, #tpu.memory_space<vmem>>, vector<16xi32>,
          %get3A_139 = vector.shape_cast %get3A_138 : vector<16xi32> to vector<16xi32>
          %add3A_140 = vector.broadcast %add3A_137 : i32 to vector<16xi32>
          %add3A_141 = arith.addi %add3A_140, %iota3A : vector<16xi32>
          %rem3A_142 = arith.constant 26 : i32
          %rem3A_143 = vector.broadcast %rem3A_142 : i32 to vector<16xi32>
          %rem3A_144 = arith.remsi %add3A_141, %rem3A_143 : vector<16xi32>
          %mul3A_145 = arith.constant 1000 : i32
          %mul3A_146 = vector.broadcast %mul3A_145 : i32 to vector<16xi32>
          %mul3A_147 = arith.muli %mul3A_146, %rem3A_144 : vector<16xi32>
          %add3A_148 = arith.addi %get3A_139, %mul3A_147 : vector<16xi32>
          %mul3A_149 = arith.constant 16 : i32
          %mul3A_150 = arith.muli %add3A_132, %mul3A_149 : i32
          %swap3A = arith.index_cast %sub3A_69 : i32 to index
          %swap3A_151 = arith.index_cast %mul3A_150 : i32 to index
          %swap3A_152 = tpu.vector_load %arg6[%swap3A, %swap3A_151] {strides = array<i32>} : memref<2x128xi32, #tpu.memory_space<vmem>>, vector<1x16xi32>,
          %swap3A_153 = vector.shape_cast %swap3A_152 : vector<1x16xi32> to vector<16xi32>
          %swap3A_154 = vector.shape_cast %add3A_148 : vector<16xi32> to vector<1x16xi32>
          tpu.vector_store %arg6[%swap3A, %swap3A_151], %swap3A_154 {strides = array<i32>} : memref<2x128xi32, #tpu.memory_space<vmem>>, vector<1x16xi32>,
        }
        %scan3A_109 = arith.constant 8 : i32
        %ge3A = arith.constant 1 : i32
        %ge3A_110 = arith.cmpi sge, %add3A_66, %ge3A : i32
        %convert_element_type3A_111 = arith.extui %ge3A_110 : i1 to i32
        %cond3A_112 = arith.constant 0 : i32
        %cond3A_113 = arith.cmpi ne, %convert_element_type3A_111, %cond3A_112 : i32
        scf.if %cond3A_113 {
          %sub3A_128 = arith.constant 1 : i32
          %sub3A_129 = arith.subi %add3A_66, %sub3A_128 : i32
          %mul3A_130 = arith.constant 128 : i32
          %mul3A_131 = arith.muli %sub3A_129, %mul3A_130 : i32
          %add3A_132 = arith.addi %mul3A_2, %mul3A_131 : i32
          %dma_wait3A_133 = arith.constant 0 : i32
          %dma_wait3A_134 = arith.constant 0 : i32
          %dma_wait3A_135 = tpu.memref_slice %arg7[%sub3A_69, %dma_wait3A_133, %dma_wait3A_134] : memref<2x128x64xf32, #tpu.memory_space<vmem>> -> memref<1x128x64xf32, #tpu.memory_space<vmem>>
          %dma_wait3A_136 = tpu.memref_squeeze %dma_wait3A_135 : memref<1x128x64xf32, #tpu.memory_space<vmem>> -> memref<128x64xf32, #tpu.memory_space<vmem>>
          %dma_wait3A_137 = arith.constant 0 : i32
          %dma_wait3A_138 = tpu.memref_slice %arg4[%add3A_132, %dma_wait3A_137] : memref<53248x64xf32, #tpu.memory_space<hbm>> -> memref<128x64xf32, #tpu.memory_space<hbm>>
          %dma_wait3A_139 = tpu.memref_slice %arg9[%sub3A_69] : memref<2x!tpu.dma_semaphore, #tpu.memory_space<semaphore_mem>> -> memref<1x!tpu.dma_semaphore, #tpu.memory_space<semaphore_mem>>
          %dma_wait3A_140 = tpu.memref_squeeze %dma_wait3A_139 : memref<1x!tpu.dma_semaphore, #tpu.memory_space<semaphore_mem>> -> memref<!tpu.dma_semaphore, #tpu.memory_space<semaphore_mem>>
          %dma_wait3A_141 = arith.constant 0 : i32
          %dma_wait3A_142 = tpu.memref_slice %arg4[%add3A_132, %dma_wait3A_141] : memref<53248x64xf32, #tpu.memory_space<hbm>> -> memref<128x64xf32, #tpu.memory_space<hbm>>
          %dma_wait3A_143 = arith.constant 0 : i32
          %dma_wait3A_144 = arith.constant 0 : i32
          %dma_wait3A_145 = tpu.memref_slice %arg7[%sub3A_69, %dma_wait3A_143, %dma_wait3A_144] : memref<2x128x64xf32, #tpu.memory_space<vmem>> -> memref<1x128x64xf32, #tpu.memory_space<vmem>>
          %dma_wait3A_146 = tpu.memref_squeeze %dma_wait3A_145 : memref<1x128x64xf32, #tpu.memory_space<vmem>> -> memref<128x64xf32, #tpu.memory_space<vmem>>
          tpu.wait_dma2 semaphore(%dma_wait3A_140 : memref<!tpu.dma_semaphore, #tpu.memory_space<semaphore_mem>>) src(%dma_wait3A_146 : memref<128x64xf32, #tpu.memory_space<vmem>>) dst(%dma_wait3A_142 : memref<128x64xf32, #tpu.memory_space<hbm>>)
        } else {
        }
        %add3A_114 = arith.constant 1 : i32
        %add3A_115 = arith.addi %add3A_66, %add3A_114 : i32
        %dma_start3A_116 = arith.constant 0 : i32
        %dma_start3A_117 = arith.constant 0 : i32
        %dma_start3A_118 = tpu.memref_slice %arg7[%sub3A_69, %dma_start3A_116, %dma_start3A_117] : memref<2x128x64xf32, #tpu.memory_space<vmem>> -> memref<1x128x64xf32, #tpu.memory_space<vmem>>
        %dma_start3A_119 = tpu.memref_squeeze %dma_start3A_118 : memref<1x128x64xf32, #tpu.memory_space<vmem>> -> memref<128x64xf32, #tpu.memory_space<vmem>>
        %dma_start3A_120 = arith.constant 0 : i32
        %dma_start3A_121 = tpu.memref_slice %arg6[%sub3A_69, %dma_start3A_120] : memref<2x128xi32, #tpu.memory_space<vmem>> -> memref<1x128xi32, #tpu.memory_space<vmem>>
        %dma_start3A_122 = tpu.memref_squeeze %dma_start3A_121 : memref<1x128xi32, #tpu.memory_space<vmem>> -> memref<128xi32, #tpu.memory_space<vmem>>
        %dma_start3A_123 = arith.constant 0 : i32
        %dma_start3A_124 = arith.constant 0 : i32
        %dma_start3A_125 = tpu.memref_slice %arg3[%dma_start3A_123, %dma_start3A_124] : memref<26000x64xf32, #tpu.memory_space<hbm>> -> memref<26000x64xf32, #tpu.memory_space<hbm>>
        %dma_start3A_126 = tpu.memref_slice %arg8[%sub3A_69] : memref<2x!tpu.dma_semaphore, #tpu.memory_space<semaphore_mem>> -> memref<1x!tpu.dma_semaphore, #tpu.memory_space<semaphore_mem>>
        %dma_start3A_127 = tpu.memref_squeeze %dma_start3A_126 : memref<1x!tpu.dma_semaphore, #tpu.memory_space<semaphore_mem>> -> memref<!tpu.dma_semaphore, #tpu.memory_space<semaphore_mem>>
        tpu.enqueue_indirect_dma source(%dma_start3A_125 : memref<26000x64xf32, #tpu.memory_space<hbm>>) target(%dma_start3A_119 : memref<128x64xf32, #tpu.memory_space<vmem>>) offsets(%dma_start3A_122 : memref<128xi32, #tpu.memory_space<vmem>>) semaphore(%dma_start3A_127 : memref<!tpu.dma_semaphore, #tpu.memory_space<semaphore_mem>>)
      } else {
      }
    }
    %scan3A_25 = arith.constant 13 : i32
    %rem3A = arith.constant 12 : i32
    %rem3A_26 = arith.constant 2 : i32
    %rem3A_27 = arith.remsi %rem3A, %rem3A_26 : i32
    %add3A_28 = arith.constant 1536 : i32
    %add3A_29 = arith.addi %mul3A_2, %add3A_28 : i32
    %dma_wait3A = arith.constant 0 : i32
    %dma_wait3A_30 = arith.constant 0 : i32
    %dma_wait3A_31 = tpu.memref_slice %arg7[%rem3A_27, %dma_wait3A, %dma_wait3A_30] : memref<2x128x64xf32, #tpu.memory_space<vmem>> -> memref<1x128x64xf32, #tpu.memory_space<vmem>>
    %dma_wait3A_32 = tpu.memref_squeeze %dma_wait3A_31 : memref<1x128x64xf32, #tpu.memory_space<vmem>> -> memref<128x64xf32, #tpu.memory_space<vmem>>
    %dma_wait3A_33 = arith.constant 0 : i32
    %dma_wait3A_34 = tpu.memref_slice %arg4[%add3A_29, %dma_wait3A_33] : memref<53248x64xf32, #tpu.memory_space<hbm>> -> memref<128x64xf32, #tpu.memory_space<hbm>>
    %dma_wait3A_35 = tpu.memref_slice %arg9[%rem3A_27] : memref<2x!tpu.dma_semaphore, #tpu.memory_space<semaphore_mem>> -> memref<1x!tpu.dma_semaphore, #tpu.memory_space<semaphore_mem>>
    %dma_wait3A_36 = tpu.memref_squeeze %dma_wait3A_35 : memref<1x!tpu.dma_semaphore, #tpu.memory_space<semaphore_mem>> -> memref<!tpu.dma_semaphore, #tpu.memory_space<semaphore_mem>>
    %dma_wait3A_37 = arith.constant 0 : i32
    %dma_wait3A_38 = tpu.memref_slice %arg4[%add3A_29, %dma_wait3A_37] : memref<53248x64xf32, #tpu.memory_space<hbm>> -> memref<128x64xf32, #tpu.memory_space<hbm>>
    %dma_wait3A_39 = arith.constant 0 : i32
    %dma_wait3A_40 = arith.constant 0 : i32
    %dma_wait3A_41 = tpu.memref_slice %arg7[%rem3A_27, %dma_wait3A_39, %dma_wait3A_40] : memref<2x128x64xf32, #tpu.memory_space<vmem>> -> memref<1x128x64xf32, #tpu.memory_space<vmem>>
    %dma_wait3A_42 = tpu.memref_squeeze %dma_wait3A_41 : memref<1x128x64xf32, #tpu.memory_space<vmem>> -> memref<128x64xf32, #tpu.memory_space<vmem>>
    tpu.wait_dma2 semaphore(%dma_wait3A_36 : memref<!tpu.dma_semaphore, #tpu.memory_space<semaphore_mem>>) src(%dma_wait3A_42 : memref<128x64xf32, #tpu.memory_space<vmem>>) dst(%dma_wait3A_38 : memref<128x64xf32, #tpu.memory_space<hbm>>)
    %rem3A_43 = arith.constant 11 : i32
    %rem3A_44 = arith.constant 2 : i32
    %rem3A_45 = arith.remsi %rem3A_43, %rem3A_44 : i32
    %add3A_46 = arith.constant 1408 : i32
    %add3A_47 = arith.addi %mul3A_2, %add3A_46 : i32
    %dma_wait3A_48 = arith.constant 0 : i32
    %dma_wait3A_49 = arith.constant 0 : i32
    %dma_wait3A_50 = tpu.memref_slice %arg7[%rem3A_45, %dma_wait3A_48, %dma_wait3A_49] : memref<2x128x64xf32, #tpu.memory_space<vmem>> -> memref<1x128x64xf32, #tpu.memory_space<vmem>>
    %dma_wait3A_51 = tpu.memref_squeeze %dma_wait3A_50 : memref<1x128x64xf32, #tpu.memory_space<vmem>> -> memref<128x64xf32, #tpu.memory_space<vmem>>
    %dma_wait3A_52 = arith.constant 0 : i32
    %dma_wait3A_53 = tpu.memref_slice %arg4[%add3A_47, %dma_wait3A_52] : memref<53248x64xf32, #tpu.memory_space<hbm>> -> memref<128x64xf32, #tpu.memory_space<hbm>>
    %dma_wait3A_54 = tpu.memref_slice %arg9[%rem3A_45] : memref<2x!tpu.dma_semaphore, #tpu.memory_space<semaphore_mem>> -> memref<1x!tpu.dma_semaphore, #tpu.memory_space<semaphore_mem>>
    %dma_wait3A_55 = tpu.memref_squeeze %dma_wait3A_54 : memref<1x!tpu.dma_semaphore, #tpu.memory_space<semaphore_mem>> -> memref<!tpu.dma_semaphore, #tpu.memory_space<semaphore_mem>>
    %dma_wait3A_56 = arith.constant 0 : i32
    %dma_wait3A_57 = tpu.memref_slice %arg4[%add3A_47, %dma_wait3A_56] : memref<53248x64xf32, #tpu.memory_space<hbm>> -> memref<128x64xf32, #tpu.memory_space<hbm>>
    %dma_wait3A_58 = arith.constant 0 : i32
    %dma_wait3A_59 = arith.constant 0 : i32
    %dma_wait3A_60 = tpu.memref_slice %arg7[%rem3A_45, %dma_wait3A_58, %dma_wait3A_59] : memref<2x128x64xf32, #tpu.memory_space<vmem>> -> memref<1x128x64xf32, #tpu.memory_space<vmem>>
    %dma_wait3A_61 = tpu.memref_squeeze %dma_wait3A_60 : memref<1x128x64xf32, #tpu.memory_space<vmem>> -> memref<128x64xf32, #tpu.memory_space<vmem>>
    tpu.wait_dma2 semaphore(%dma_wait3A_55 : memref<!tpu.dma_semaphore, #tpu.memory_space<semaphore_mem>>) src(%dma_wait3A_61 : memref<128x64xf32, #tpu.memory_space<vmem>>) dst(%dma_wait3A_57 : memref<128x64xf32, #tpu.memory_space<hbm>>)
    return
  }
}

#map = affine_map<(d0, d1) -> (0)>
#map1 = affine_map<(d0, d1) -> (0, 0)>
module attributes {stable_mosaic.version = 14 : i64} {
  func.func @body(%arg0: i32, %arg1: i32, %arg2: memref<53248xi32, #tpu.memory_space<hbm>>, %arg3: memref<26000x64xf32, #tpu.memory_space<hbm>>, %arg4: memref<53248x64xf32, #tpu.memory_space<hbm>>, %arg5: memref<1664xi32, #tpu.memory_space<vmem>>, %arg6: memref<2x128xi32, #tpu.memory_space<vmem>>, %arg7: memref<2x128x64xf32, #tpu.memory_space<vmem>>, %arg8: memref<2x!tpu.dma_semaphore, #tpu.memory_space<semaphore_mem>>, %arg9: memref<2x!tpu.dma_semaphore, #tpu.memory_space<semaphore_mem>>) attributes {dimension_semantics = [#tpu.dimension_semantics<core_parallel>, #tpu.dimension_semantics<subcore_parallel>], iteration_bounds = array<i64: 2, 16>, scalar_prefetch = 0 : i64, scratch_operands = 5 : i64, tpu.core_type = #tpu.core_type<sc_vector_subcore>, window_params = [{transform_indices = #map}, {transform_indices = #map1}, {transform_indices = #map1}]} {
    %mul3A = arith.constant 2 : i32
    %mul3A_0 = arith.muli %arg1, %mul3A : i32
    %add3A = arith.addi %mul3A_0, %arg0 : i32
    %mul3A_1 = arith.constant 1664 : i32
    %mul3A_2 = arith.muli %add3A, %mul3A_1 : i32
    "tpu.region"() ({
      %run_scoped3A = tpu.sem_alloc : memref<!tpu.dma_semaphore, #tpu.memory_space<semaphore_mem>>
      %dma_start3A_62 = tpu.memref_slice %arg2[%mul3A_2] : memref<53248xi32, #tpu.memory_space<hbm>> -> memref<1664xi32, #tpu.memory_space<hbm>>
      %dma_start3A_63 = tpu.memref_slice %arg2[%mul3A_2] : memref<53248xi32, #tpu.memory_space<hbm>> -> memref<1664xi32, #tpu.memory_space<hbm>>
      tpu.enqueue_dma source(%dma_start3A_63 : memref<1664xi32, #tpu.memory_space<hbm>>) target(%arg5 : memref<1664xi32, #tpu.memory_space<vmem>>) target_semaphore(%run_scoped3A : memref<!tpu.dma_semaphore, #tpu.memory_space<semaphore_mem>>)
      %dma_wait3A_64 = tpu.memref_slice %arg2[%mul3A_2] : memref<53248xi32, #tpu.memory_space<hbm>> -> memref<1664xi32, #tpu.memory_space<hbm>>
      %dma_wait3A_65 = tpu.memref_slice %arg2[%mul3A_2] : memref<53248xi32, #tpu.memory_space<hbm>> -> memref<1664xi32, #tpu.memory_space<hbm>>
      tpu.wait_dma2 semaphore(%run_scoped3A : memref<!tpu.dma_semaphore, #tpu.memory_space<semaphore_mem>>) src(%dma_wait3A_65 : memref<1664xi32, #tpu.memory_space<hbm>>) dst(%arg5 : memref<1664xi32, #tpu.memory_space<vmem>>)
      tpu.yield
    }) : () -> ()
    %iota3A = tpu.iota {dimensions = array<i32: 0>} : vector<16xi32>
    %scan3A = arith.constant 0 : i32
    %scan3A_3 = arith.constant 8 : i32
    %scan3A_4 = arith.addi %scan3A, %scan3A_3 : i32
    %scan3A_5 = arith.constant 1 : i32
    scf.for %scan3A_62 = %scan3A to %scan3A_4 step %scan3A_5  : i32 {
      %mul3A_63 = arith.constant 1 : i32
      %mul3A_64 = arith.muli %scan3A_62, %mul3A_63 : i32
      %add3A_65 = arith.constant 0 : i32
      %add3A_66 = arith.addi %add3A_65, %mul3A_64 : i32
      %mul3A_67 = arith.constant 16 : i32
      %mul3A_68 = arith.muli %add3A_66, %mul3A_67 : i32
      %add3A_69 = arith.constant 0 : i32
      %add3A_70 = arith.addi %add3A_69, %mul3A_68 : i32
      %get3A = arith.index_cast %add3A_70 : i32 to index
      %get3A_71 = tpu.vector_load %arg5[%get3A] {strides = array<i32>} : memref<1664xi32, #tpu.memory_space<vmem>>, vector<16xi32>,
      %get3A_72 = vector.shape_cast %get3A_71 : vector<16xi32> to vector<16xi32>
      %add3A_73 = vector.broadcast %add3A_70 : i32 to vector<16xi32>
      %add3A_74 = arith.addi %add3A_73, %iota3A : vector<16xi32>
      %rem3A_75 = arith.constant 26 : i32
      %rem3A_76 = vector.broadcast %rem3A_75 : i32 to vector<16xi32>
      %rem3A_77 = arith.remsi %add3A_74, %rem3A_76 : vector<16xi32>
      %mul3A_78 = arith.constant 1000 : i32
      %mul3A_79 = vector.broadcast %mul3A_78 : i32 to vector<16xi32>
      %mul3A_80 = arith.muli %mul3A_79, %rem3A_77 : vector<16xi32>
      %add3A_81 = arith.addi %get3A_72, %mul3A_80 : vector<16xi32>
      %mul3A_82 = arith.constant 16 : i32
      %mul3A_83 = arith.muli %add3A_66, %mul3A_82 : i32
      %swap3A = arith.constant 0 : i32
      %swap3A_84 = arith.index_cast %swap3A : i32 to index
      %swap3A_85 = arith.index_cast %mul3A_83 : i32 to index
      %swap3A_86 = tpu.vector_load %arg6[%swap3A_84, %swap3A_85] {strides = array<i32>} : memref<2x128xi32, #tpu.memory_space<vmem>>, vector<1x16xi32>,
      %swap3A_87 = vector.shape_cast %swap3A_86 : vector<1x16xi32> to vector<16xi32>
      %swap3A_88 = vector.shape_cast %add3A_81 : vector<16xi32> to vector<1x16xi32>
      tpu.vector_store %arg6[%swap3A_84, %swap3A_85], %swap3A_88 {strides = array<i32>} : memref<2x128xi32, #tpu.memory_space<vmem>>, vector<1x16xi32>,
    }
    %scan3A_6 = arith.constant 8 : i32
    %dma_start3A = arith.constant 0 : i32
    %dma_start3A_7 = arith.constant 0 : i32
    %dma_start3A_8 = arith.constant 0 : i32
    %dma_start3A_9 = arith.constant 0 : i32
    %dma_start3A_10 = arith.constant 0 : i32
    %dma_start3A_11 = tpu.memref_slice %arg7[%dma_start3A_7, %dma_start3A_9, %dma_start3A_10] : memref<2x128x64xf32, #tpu.memory_space<vmem>> -> memref<1x128x64xf32, #tpu.memory_space<vmem>>
    %dma_start3A_12 = tpu.memref_squeeze %dma_start3A_11 : memref<1x128x64xf32, #tpu.memory_space<vmem>> -> memref<128x64xf32, #tpu.memory_space<vmem>>
    %dma_start3A_13 = arith.constant 0 : i32
    %dma_start3A_14 = tpu.memref_slice %arg6[%dma_start3A, %dma_start3A_13] : memref<2x128xi32, #tpu.memory_space<vmem>> -> memref<1x128xi32, #tpu.memory_space<vmem>>
    %dma_start3A_15 = tpu.memref_squeeze %dma_start3A_14 : memref<1x128xi32, #tpu.memory_space<vmem>> -> memref<128xi32, #tpu.memory_space<vmem>>
    %dma_start3A_16 = arith.constant 0 : i32
    %dma_start3A_17 = arith.constant 0 : i32
    %dma_start3A_18 = tpu.memref_slice %arg3[%dma_start3A_16, %dma_start3A_17] : memref<26000x64xf32, #tpu.memory_space<hbm>> -> memref<26000x64xf32, #tpu.memory_space<hbm>>
    %dma_start3A_19 = tpu.memref_slice %arg8[%dma_start3A_8] : memref<2x!tpu.dma_semaphore, #tpu.memory_space<semaphore_mem>> -> memref<1x!tpu.dma_semaphore, #tpu.memory_space<semaphore_mem>>
    %dma_start3A_20 = tpu.memref_squeeze %dma_start3A_19 : memref<1x!tpu.dma_semaphore, #tpu.memory_space<semaphore_mem>> -> memref<!tpu.dma_semaphore, #tpu.memory_space<semaphore_mem>>
    tpu.enqueue_indirect_dma source(%dma_start3A_18 : memref<26000x64xf32, #tpu.memory_space<hbm>>) target(%dma_start3A_12 : memref<128x64xf32, #tpu.memory_space<vmem>>) offsets(%dma_start3A_15 : memref<128xi32, #tpu.memory_space<vmem>>) semaphore(%dma_start3A_20 : memref<!tpu.dma_semaphore, #tpu.memory_space<semaphore_mem>>)
    %scan3A_21 = arith.constant 0 : i32
    %scan3A_22 = arith.constant 13 : i32
    %scan3A_23 = arith.addi %scan3A_21, %scan3A_22 : i32
    %scan3A_24 = arith.constant 1 : i32
    scf.for %scan3A_62 = %scan3A_21 to %scan3A_23 step %scan3A_24  : i32 {
      %mul3A_63 = arith.constant 1 : i32
      %mul3A_64 = arith.muli %scan3A_62, %mul3A_63 : i32
      %add3A_65 = arith.constant 0 : i32
      %add3A_66 = arith.addi %add3A_65, %mul3A_64 : i32
      %rem3A_67 = arith.constant 2 : i32
      %rem3A_68 = arith.remsi %add3A_66, %rem3A_67 : i32
      %sub3A = arith.constant 1 : i32
      %sub3A_69 = arith.subi %sub3A, %rem3A_68 : i32
      %dma_wait3A_70 = arith.constant 0 : i32
      %dma_wait3A_71 = arith.constant 0 : i32
      %dma_wait3A_72 = tpu.memref_slice %arg7[%rem3A_68, %dma_wait3A_70, %dma_wait3A_71] : memref<2x128x64xf32, #tpu.memory_space<vmem>> -> memref<1x128x64xf32, #tpu.memory_space<vmem>>
      %dma_wait3A_73 = tpu.memref_squeeze %dma_wait3A_72 : memref<1x128x64xf32, #tpu.memory_space<vmem>> -> memref<128x64xf32, #tpu.memory_space<vmem>>
      %dma_wait3A_74 = arith.constant 0 : i32
      %dma_wait3A_75 = tpu.memref_slice %arg6[%rem3A_68, %dma_wait3A_74] : memref<2x128xi32, #tpu.memory_space<vmem>> -> memref<1x128xi32, #tpu.memory_space<vmem>>
      %dma_wait3A_76 = tpu.memref_squeeze %dma_wait3A_75 : memref<1x128xi32, #tpu.memory_space<vmem>> -> memref<128xi32, #tpu.memory_space<vmem>>
      %dma_wait3A_77 = arith.constant 0 : i32
      %dma_wait3A_78 = arith.constant 0 : i32
      %dma_wait3A_79 = tpu.memref_slice %arg3[%dma_wait3A_77, %dma_wait3A_78] : memref<26000x64xf32, #tpu.memory_space<hbm>> -> memref<26000x64xf32, #tpu.memory_space<hbm>>
      %dma_wait3A_80 = tpu.memref_slice %arg8[%rem3A_68] : memref<2x!tpu.dma_semaphore, #tpu.memory_space<semaphore_mem>> -> memref<1x!tpu.dma_semaphore, #tpu.memory_space<semaphore_mem>>
      %dma_wait3A_81 = tpu.memref_squeeze %dma_wait3A_80 : memref<1x!tpu.dma_semaphore, #tpu.memory_space<semaphore_mem>> -> memref<!tpu.dma_semaphore, #tpu.memory_space<semaphore_mem>>
      tpu.wait_indirect_dma semaphore(%dma_wait3A_81 : memref<!tpu.dma_semaphore, #tpu.memory_space<semaphore_mem>>) src(%dma_wait3A_79 : memref<26000x64xf32, #tpu.memory_space<hbm>>) dst(%dma_wait3A_73 : memref<128x64xf32, #tpu.memory_space<vmem>>)
      %mul3A_82 = arith.constant 128 : i32
      %mul3A_83 = arith.muli %add3A_66, %mul3A_82 : i32
      %add3A_84 = arith.addi %mul3A_2, %mul3A_83 : i32
      %dma_start3A_85 = arith.constant 0 : i32
      %dma_start3A_86 = arith.constant 0 : i32
      %dma_start3A_87 = tpu.memref_slice %arg7[%rem3A_68, %dma_start3A_85, %dma_start3A_86] : memref<2x128x64xf32, #tpu.memory_space<vmem>> -> memref<1x128x64xf32, #tpu.memory_space<vmem>>
      %dma_start3A_88 = tpu.memref_squeeze %dma_start3A_87 : memref<1x128x64xf32, #tpu.memory_space<vmem>> -> memref<128x64xf32, #tpu.memory_space<vmem>>
      %dma_start3A_89 = arith.constant 0 : i32
      %dma_start3A_90 = tpu.memref_slice %arg4[%add3A_84, %dma_start3A_89] : memref<53248x64xf32, #tpu.memory_space<hbm>> -> memref<128x64xf32, #tpu.memory_space<hbm>>
      %dma_start3A_91 = tpu.memref_slice %arg9[%rem3A_68] : memref<2x!tpu.dma_semaphore, #tpu.memory_space<semaphore_mem>> -> memref<1x!tpu.dma_semaphore, #tpu.memory_space<semaphore_mem>>
      %dma_start3A_92 = tpu.memref_squeeze %dma_start3A_91 : memref<1x!tpu.dma_semaphore, #tpu.memory_space<semaphore_mem>> -> memref<!tpu.dma_semaphore, #tpu.memory_space<semaphore_mem>>
      %dma_start3A_93 = arith.constant 0 : i32
      %dma_start3A_94 = tpu.memref_slice %arg4[%add3A_84, %dma_start3A_93] : memref<53248x64xf32, #tpu.memory_space<hbm>> -> memref<128x64xf32, #tpu.memory_space<hbm>>
      %dma_start3A_95 = arith.constant 0 : i32
      %dma_start3A_96 = arith.constant 0 : i32
      %dma_start3A_97 = tpu.memref_slice %arg7[%rem3A_68, %dma_start3A_95, %dma_start3A_96] : memref<2x128x64xf32, #tpu.memory_space<vmem>> -> memref<1x128x64xf32, #tpu.memory_space<vmem>>
      %dma_start3A_98 = tpu.memref_squeeze %dma_start3A_97 : memref<1x128x64xf32, #tpu.memory_space<vmem>> -> memref<128x64xf32, #tpu.memory_space<vmem>>
      tpu.enqueue_dma source(%dma_start3A_98 : memref<128x64xf32, #tpu.memory_space<vmem>>) target(%dma_start3A_94 : memref<128x64xf32, #tpu.memory_space<hbm>>) target_semaphore(%dma_start3A_92 : memref<!tpu.dma_semaphore, #tpu.memory_space<semaphore_mem>>)
      %add3A_99 = arith.constant 1 : i32
      %add3A_100 = arith.addi %add3A_66, %add3A_99 : i32
      %lt3A = arith.constant 13 : i32
      %lt3A_101 = arith.cmpi slt, %add3A_100, %lt3A : i32
      %convert_element_type3A = arith.extui %lt3A_101 : i1 to i32
      %cond3A = arith.constant 0 : i32
      %cond3A_102 = arith.cmpi ne, %convert_element_type3A, %cond3A : i32
      scf.if %cond3A_102 {
        %add3A_103 = arith.constant 1 : i32
        %add3A_104 = arith.addi %add3A_66, %add3A_103 : i32
        %scan3A_105 = arith.constant 0 : i32
        %scan3A_106 = arith.constant 8 : i32
        %scan3A_107 = arith.addi %scan3A_105, %scan3A_106 : i32
        %scan3A_108 = arith.constant 1 : i32
        scf.for %scan3A_128 = %scan3A_105 to %scan3A_107 step %scan3A_108  : i32 {
          %mul3A_129 = arith.constant 1 : i32
          %mul3A_130 = arith.muli %scan3A_128, %mul3A_129 : i32
          %add3A_131 = arith.constant 0 : i32
          %add3A_132 = arith.addi %add3A_131, %mul3A_130 : i32
          %mul3A_133 = arith.constant 128 : i32
          %mul3A_134 = arith.muli %add3A_104, %mul3A_133 : i32
          %mul3A_135 = arith.constant 16 : i32
          %mul3A_136 = arith.muli %add3A_132, %mul3A_135 : i32
          %add3A_137 = arith.addi %mul3A_134, %mul3A_136 : i32
          %get3A = arith.index_cast %add3A_137 : i32 to index
          %get3A_138 = tpu.vector_load %arg5[%get3A] {strides = array<i32>} : memref<1664xi32, #tpu.memory_space<vmem>>, vector<16xi32>,
          %get3A_139 = vector.shape_cast %get3A_138 : vector<16xi32> to vector<16xi32>
          %add3A_140 = vector.broadcast %add3A_137 : i32 to vector<16xi32>
          %add3A_141 = arith.addi %add3A_140, %iota3A : vector<16xi32>
          %rem3A_142 = arith.constant 26 : i32
          %rem3A_143 = vector.broadcast %rem3A_142 : i32 to vector<16xi32>
          %rem3A_144 = arith.remsi %add3A_141, %rem3A_143 : vector<16xi32>
          %mul3A_145 = arith.constant 1000 : i32
          %mul3A_146 = vector.broadcast %mul3A_145 : i32 to vector<16xi32>
          %mul3A_147 = arith.muli %mul3A_146, %rem3A_144 : vector<16xi32>
          %add3A_148 = arith.addi %get3A_139, %mul3A_147 : vector<16xi32>
          %mul3A_149 = arith.constant 16 : i32
          %mul3A_150 = arith.muli %add3A_132, %mul3A_149 : i32
          %swap3A = arith.index_cast %sub3A_69 : i32 to index
          %swap3A_151 = arith.index_cast %mul3A_150 : i32 to index
          %swap3A_152 = tpu.vector_load %arg6[%swap3A, %swap3A_151] {strides = array<i32>} : memref<2x128xi32, #tpu.memory_space<vmem>>, vector<1x16xi32>,
          %swap3A_153 = vector.shape_cast %swap3A_152 : vector<1x16xi32> to vector<16xi32>
          %swap3A_154 = vector.shape_cast %add3A_148 : vector<16xi32> to vector<1x16xi32>
          tpu.vector_store %arg6[%swap3A, %swap3A_151], %swap3A_154 {strides = array<i32>} : memref<2x128xi32, #tpu.memory_space<vmem>>, vector<1x16xi32>,
        }
        %scan3A_109 = arith.constant 8 : i32
        %ge3A = arith.constant 1 : i32
        %ge3A_110 = arith.cmpi sge, %add3A_66, %ge3A : i32
        %convert_element_type3A_111 = arith.extui %ge3A_110 : i1 to i32
        %cond3A_112 = arith.constant 0 : i32
        %cond3A_113 = arith.cmpi ne, %convert_element_type3A_111, %cond3A_112 : i32
        scf.if %cond3A_113 {
          %sub3A_128 = arith.constant 1 : i32
          %sub3A_129 = arith.subi %add3A_66, %sub3A_128 : i32
          %mul3A_130 = arith.constant 128 : i32
          %mul3A_131 = arith.muli %sub3A_129, %mul3A_130 : i32
          %add3A_132 = arith.addi %mul3A_2, %mul3A_131 : i32
          %dma_wait3A_133 = arith.constant 0 : i32
          %dma_wait3A_134 = arith.constant 0 : i32
          %dma_wait3A_135 = tpu.memref_slice %arg7[%sub3A_69, %dma_wait3A_133, %dma_wait3A_134] : memref<2x128x64xf32, #tpu.memory_space<vmem>> -> memref<1x128x64xf32, #tpu.memory_space<vmem>>
          %dma_wait3A_136 = tpu.memref_squeeze %dma_wait3A_135 : memref<1x128x64xf32, #tpu.memory_space<vmem>> -> memref<128x64xf32, #tpu.memory_space<vmem>>
          %dma_wait3A_137 = arith.constant 0 : i32
          %dma_wait3A_138 = tpu.memref_slice %arg4[%add3A_132, %dma_wait3A_137] : memref<53248x64xf32, #tpu.memory_space<hbm>> -> memref<128x64xf32, #tpu.memory_space<hbm>>
          %dma_wait3A_139 = tpu.memref_slice %arg9[%sub3A_69] : memref<2x!tpu.dma_semaphore, #tpu.memory_space<semaphore_mem>> -> memref<1x!tpu.dma_semaphore, #tpu.memory_space<semaphore_mem>>
          %dma_wait3A_140 = tpu.memref_squeeze %dma_wait3A_139 : memref<1x!tpu.dma_semaphore, #tpu.memory_space<semaphore_mem>> -> memref<!tpu.dma_semaphore, #tpu.memory_space<semaphore_mem>>
          %dma_wait3A_141 = arith.constant 0 : i32
          %dma_wait3A_142 = tpu.memref_slice %arg4[%add3A_132, %dma_wait3A_141] : memref<53248x64xf32, #tpu.memory_space<hbm>> -> memref<128x64xf32, #tpu.memory_space<hbm>>
          %dma_wait3A_143 = arith.constant 0 : i32
          %dma_wait3A_144 = arith.constant 0 : i32
          %dma_wait3A_145 = tpu.memref_slice %arg7[%sub3A_69, %dma_wait3A_143, %dma_wait3A_144] : memref<2x128x64xf32, #tpu.memory_space<vmem>> -> memref<1x128x64xf32, #tpu.memory_space<vmem>>
          %dma_wait3A_146 = tpu.memref_squeeze %dma_wait3A_145 : memref<1x128x64xf32, #tpu.memory_space<vmem>> -> memref<128x64xf32, #tpu.memory_space<vmem>>
          tpu.wait_dma2 semaphore(%dma_wait3A_140 : memref<!tpu.dma_semaphore, #tpu.memory_space<semaphore_mem>>) src(%dma_wait3A_146 : memref<128x64xf32, #tpu.memory_space<vmem>>) dst(%dma_wait3A_142 : memref<128x64xf32, #tpu.memory_space<hbm>>)
        } else {
        }
        %add3A_114 = arith.constant 1 : i32
        %add3A_115 = arith.addi %add3A_66, %add3A_114 : i32
        %dma_start3A_116 = arith.constant 0 : i32
        %dma_start3A_117 = arith.constant 0 : i32
        %dma_start3A_118 = tpu.memref_slice %arg7[%sub3A_69, %dma_start3A_116, %dma_start3A_117] : memref<2x128x64xf32, #tpu.memory_space<vmem>> -> memref<1x128x64xf32, #tpu.memory_space<vmem>>
        %dma_start3A_119 = tpu.memref_squeeze %dma_start3A_118 : memref<1x128x64xf32, #tpu.memory_space<vmem>> -> memref<128x64xf32, #tpu.memory_space<vmem>>
        %dma_start3A_120 = arith.constant 0 : i32
        %dma_start3A_121 = tpu.memref_slice %arg6[%sub3A_69, %dma_start3A_120] : memref<2x128xi32, #tpu.memory_space<vmem>> -> memref<1x128xi32, #tpu.memory_space<vmem>>
        %dma_start3A_122 = tpu.memref_squeeze %dma_start3A_121 : memref<1x128xi32, #tpu.memory_space<vmem>> -> memref<128xi32, #tpu.memory_space<vmem>>
        %dma_start3A_123 = arith.constant 0 : i32
        %dma_start3A_124 = arith.constant 0 : i32
        %dma_start3A_125 = tpu.memref_slice %arg3[%dma_start3A_123, %dma_start3A_124] : memref<26000x64xf32, #tpu.memory_space<hbm>> -> memref<26000x64xf32, #tpu.memory_space<hbm>>
        %dma_start3A_126 = tpu.memref_slice %arg8[%sub3A_69] : memref<2x!tpu.dma_semaphore, #tpu.memory_space<semaphore_mem>> -> memref<1x!tpu.dma_semaphore, #tpu.memory_space<semaphore_mem>>
        %dma_start3A_127 = tpu.memref_squeeze %dma_start3A_126 : memref<1x!tpu.dma_semaphore, #tpu.memory_space<semaphore_mem>> -> memref<!tpu.dma_semaphore, #tpu.memory_space<semaphore_mem>>
        tpu.enqueue_indirect_dma source(%dma_start3A_125 : memref<26000x64xf32, #tpu.memory_space<hbm>>) target(%dma_start3A_119 : memref<128x64xf32, #tpu.memory_space<vmem>>) offsets(%dma_start3A_122 : memref<128xi32, #tpu.memory_space<vmem>>) semaphore(%dma_start3A_127 : memref<!tpu.dma_semaphore, #tpu.memory_space<semaphore_mem>>)
      } else {
      }
    }
    %scan3A_25 = arith.constant 13 : i32
    %rem3A = arith.constant 12 : i32
    %rem3A_26 = arith.constant 2 : i32
    %rem3A_27 = arith.remsi %rem3A, %rem3A_26 : i32
    %add3A_28 = arith.constant 1536 : i32
    %add3A_29 = arith.addi %mul3A_2, %add3A_28 : i32
    %dma_wait3A = arith.constant 0 : i32
    %dma_wait3A_30 = arith.constant 0 : i32
    %dma_wait3A_31 = tpu.memref_slice %arg7[%rem3A_27, %dma_wait3A, %dma_wait3A_30] : memref<2x128x64xf32, #tpu.memory_space<vmem>> -> memref<1x128x64xf32, #tpu.memory_space<vmem>>
    %dma_wait3A_32 = tpu.memref_squeeze %dma_wait3A_31 : memref<1x128x64xf32, #tpu.memory_space<vmem>> -> memref<128x64xf32, #tpu.memory_space<vmem>>
    %dma_wait3A_33 = arith.constant 0 : i32
    %dma_wait3A_34 = tpu.memref_slice %arg4[%add3A_29, %dma_wait3A_33] : memref<53248x64xf32, #tpu.memory_space<hbm>> -> memref<128x64xf32, #tpu.memory_space<hbm>>
    %dma_wait3A_35 = tpu.memref_slice %arg9[%rem3A_27] : memref<2x!tpu.dma_semaphore, #tpu.memory_space<semaphore_mem>> -> memref<1x!tpu.dma_semaphore, #tpu.memory_space<semaphore_mem>>
    %dma_wait3A_36 = tpu.memref_squeeze %dma_wait3A_35 : memref<1x!tpu.dma_semaphore, #tpu.memory_space<semaphore_mem>> -> memref<!tpu.dma_semaphore, #tpu.memory_space<semaphore_mem>>
    %dma_wait3A_37 = arith.constant 0 : i32
    %dma_wait3A_38 = tpu.memref_slice %arg4[%add3A_29, %dma_wait3A_37] : memref<53248x64xf32, #tpu.memory_space<hbm>> -> memref<128x64xf32, #tpu.memory_space<hbm>>
    %dma_wait3A_39 = arith.constant 0 : i32
    %dma_wait3A_40 = arith.constant 0 : i32
    %dma_wait3A_41 = tpu.memref_slice %arg7[%rem3A_27, %dma_wait3A_39, %dma_wait3A_40] : memref<2x128x64xf32, #tpu.memory_space<vmem>> -> memref<1x128x64xf32, #tpu.memory_space<vmem>>
    %dma_wait3A_42 = tpu.memref_squeeze %dma_wait3A_41 : memref<1x128x64xf32, #tpu.memory_space<vmem>> -> memref<128x64xf32, #tpu.memory_space<vmem>>
    tpu.wait_dma2 semaphore(%dma_wait3A_36 : memref<!tpu.dma_semaphore, #tpu.memory_space<semaphore_mem>>) src(%dma_wait3A_42 : memref<128x64xf32, #tpu.memory_space<vmem>>) dst(%dma_wait3A_38 : memref<128x64xf32, #tpu.memory_space<hbm>>)
    %rem3A_43 = arith.constant 11 : i32
    %rem3A_44 = arith.constant 2 : i32
    %rem3A_45 = arith.remsi %rem3A_43, %rem3A_44 : i32
    %add3A_46 = arith.constant 1408 : i32
    %add3A_47 = arith.addi %mul3A_2, %add3A_46 : i32
    %dma_wait3A_48 = arith.constant 0 : i32
    %dma_wait3A_49 = arith.constant 0 : i32
    %dma_wait3A_50 = tpu.memref_slice %arg7[%rem3A_45, %dma_wait3A_48, %dma_wait3A_49] : memref<2x128x64xf32, #tpu.memory_space<vmem>> -> memref<1x128x64xf32, #tpu.memory_space<vmem>>
    %dma_wait3A_51 = tpu.memref_squeeze %dma_wait3A_50 : memref<1x128x64xf32, #tpu.memory_space<vmem>> -> memref<128x64xf32, #tpu.memory_space<vmem>>
    %dma_wait3A_52 = arith.constant 0 : i32
    %dma_wait3A_53 = tpu.memref_slice %arg4[%add3A_47, %dma_wait3A_52] : memref<53248x64xf32, #tpu.memory_space<hbm>> -> memref<128x64xf32, #tpu.memory_space<hbm>>
    %dma_wait3A_54 = tpu.memref_slice %arg9[%rem3A_45] : memref<2x!tpu.dma_semaphore, #tpu.memory_space<semaphore_mem>> -> memref<1x!tpu.dma_semaphore, #tpu.memory_space<semaphore_mem>>
    %dma_wait3A_55 = tpu.memref_squeeze %dma_wait3A_54 : memref<1x!tpu.dma_semaphore, #tpu.memory_space<semaphore_mem>> -> memref<!tpu.dma_semaphore, #tpu.memory_space<semaphore_mem>>
    %dma_wait3A_56 = arith.constant 0 : i32
    %dma_wait3A_57 = tpu.memref_slice %arg4[%add3A_47, %dma_wait3A_56] : memref<53248x64xf32, #tpu.memory_space<hbm>> -> memref<128x64xf32, #tpu.memory_space<hbm>>
    %dma_wait3A_58 = arith.constant 0 : i32
    %dma_wait3A_59 = arith.constant 0 : i32
    %dma_wait3A_60 = tpu.memref_slice %arg7[%rem3A_45, %dma_wait3A_58, %dma_wait3A_59] : memref<2x128x64xf32, #tpu.memory_space<vmem>> -> memref<1x128x64xf32, #tpu.memory_space<vmem>>
    %dma_wait3A_61 = tpu.memref_squeeze %dma_wait3A_60 : memref<1x128x64xf32, #tpu.memory_space<vmem>> -> memref<128x64xf32, #tpu.memory_space<vmem>>
    tpu.wait_dma2 semaphore(%dma_wait3A_55 : memref<!tpu.dma_semaphore, #tpu.memory_space<semaphore_mem>>) src(%dma_wait3A_61 : memref<128x64xf32, #tpu.memory_space<vmem>>) dst(%dma_wait3A_57 : memref<128x64xf32, #tpu.memory_space<hbm>>)
    return
  }
}

module attributes {stable_mosaic.version = 14 : i64} {
  func.func @_mlp_body(%arg0: i32, %arg1: memref<512x1664xf32, #tpu.memory_space<vmem>>, %arg2: memref<512x13xf32, #tpu.memory_space<vmem>>, %arg3: memref<1x13xf32, #tpu.memory_space<vmem>>, %arg4: memref<1x13xf32, #tpu.memory_space<vmem>>, %arg5: memref<1024x1664xbf16, #tpu.memory_space<vmem>>, %arg6: memref<1024x13xbf16, #tpu.memory_space<vmem>>, %arg7: memref<1x1024xf32, #tpu.memory_space<vmem>>, %arg8: memref<1x1024xf32, #tpu.memory_space<vmem>>, %arg9: memref<1x1024xf32, #tpu.memory_space<vmem>>, %arg10: memref<512x1024xbf16, #tpu.memory_space<vmem>>, %arg11: memref<1x512xf32, #tpu.memory_space<vmem>>, %arg12: memref<1x512xf32, #tpu.memory_space<vmem>>, %arg13: memref<1x512xf32, #tpu.memory_space<vmem>>, %arg14: memref<256x512xbf16, #tpu.memory_space<vmem>>, %arg15: memref<1x256xf32, #tpu.memory_space<vmem>>, %arg16: memref<1x256xf32, #tpu.memory_space<vmem>>, %arg17: memref<1x256xf32, #tpu.memory_space<vmem>>, %arg18: memref<1x256xf32, #tpu.memory_space<vmem>>, %arg19: memref<1x1xf32, #tpu.memory_space<vmem>>, %arg20: memref<512x1xf32, #tpu.memory_space<vmem>>) attributes {dimension_semantics = [#tpu.dimension_semantics<arbitrary>], iteration_bounds = array<i64: 4>, scalar_prefetch = 0 : i64, scratch_operands = 0 : i64, tpu.core_type = #tpu.core_type<tc>, window_params = [{transform_indices = @transform_0, window_bounds = array<i64: 512, 1664>}, {transform_indices = @transform_1, window_bounds = array<i64: 512, 13>}, {pipeline_mode = #tpu.pipeline_mode<synchronous>, transform_indices = @transform_2, window_bounds = array<i64: 1, 13>}, {pipeline_mode = #tpu.pipeline_mode<synchronous>, transform_indices = @transform_3, window_bounds = array<i64: 1, 13>}, {pipeline_mode = #tpu.pipeline_mode<synchronous>, transform_indices = @transform_4, window_bounds = array<i64: 1024, 1664>}, {pipeline_mode = #tpu.pipeline_mode<synchronous>, transform_indices = @transform_5, window_bounds = array<i64: 1024, 13>}, {pipeline_mode = #tpu.pipeline_mode<synchronous>, transform_indices = @transform_6, window_bounds = array<i64: 1, 1024>}, {pipeline_mode = #tpu.pipeline_mode<synchronous>, transform_indices = @transform_7, window_bounds = array<i64: 1, 1024>}, {pipeline_mode = #tpu.pipeline_mode<synchronous>, transform_indices = @transform_8, window_bounds = array<i64: 1, 1024>}, {pipeline_mode = #tpu.pipeline_mode<synchronous>, transform_indices = @transform_9, window_bounds = array<i64: 512, 1024>}, {pipeline_mode = #tpu.pipeline_mode<synchronous>, transform_indices = @transform_10, window_bounds = array<i64: 1, 512>}, {pipeline_mode = #tpu.pipeline_mode<synchronous>, transform_indices = @transform_11, window_bounds = array<i64: 1, 512>}, {pipeline_mode = #tpu.pipeline_mode<synchronous>, transform_indices = @transform_12, window_bounds = array<i64: 1, 512>}, {pipeline_mode = #tpu.pipeline_mode<synchronous>, transform_indices = @transform_13, window_bounds = array<i64: 256, 512>}, {pipeline_mode = #tpu.pipeline_mode<synchronous>, transform_indices = @transform_14, window_bounds = array<i64: 1, 256>}, {pipeline_mode = #tpu.pipeline_mode<synchronous>, transform_indices = @transform_15, window_bounds = array<i64: 1, 256>}, {pipeline_mode = #tpu.pipeline_mode<synchronous>, transform_indices = @transform_16, window_bounds = array<i64: 1, 256>}, {pipeline_mode = #tpu.pipeline_mode<synchronous>, transform_indices = @transform_17, window_bounds = array<i64: 1, 256>}, {pipeline_mode = #tpu.pipeline_mode<synchronous>, transform_indices = @transform_18, window_bounds = array<i64: 1, 1>}, {transform_indices = @transform_19, window_bounds = array<i64: 512, 1>}]} {
    %sqrt3A = arith.constant 1.000010e+00 : f32
    %sqrt3A_0 = math.sqrt %sqrt3A : f32
    %div3A = arith.constant 1.000000e+00 : f32
    %div3A_1 = arith.divf %div3A, %sqrt3A_0 : f32
    %get3A = arith.constant 0 : index
    %get3A_2 = arith.constant 0 : index
    %get3A_3 = vector.load %arg2[%get3A, %get3A_2] : memref<512x13xf32, #tpu.memory_space<vmem>>, vector<512x13xf32>
    %get3A_4 = arith.constant 0 : index
    %get3A_5 = arith.constant 0 : index
    %get3A_6 = vector.load %arg3[%get3A_4, %get3A_5] : memref<1x13xf32, #tpu.memory_space<vmem>>, vector<1x13xf32>
    %mul3A = vector.broadcast %div3A_1 : f32 to vector<1x13xf32>
    %mul3A_7 = arith.mulf %get3A_6, %mul3A : vector<1x13xf32>
    %mul3A_8 = vector.broadcast %mul3A_7 : vector<1x13xf32> to vector<512x13xf32>
    %mul3A_9 = arith.mulf %get3A_3, %mul3A_8 : vector<512x13xf32>
    %get3A_10 = arith.constant 0 : index
    %get3A_11 = arith.constant 0 : index
    %get3A_12 = vector.load %arg4[%get3A_10, %get3A_11] : memref<1x13xf32, #tpu.memory_space<vmem>>, vector<1x13xf32>
    %add3A = vector.broadcast %get3A_12 : vector<1x13xf32> to vector<512x13xf32>
    %add3A_13 = arith.addf %mul3A_9, %add3A : vector<512x13xf32>
    %get3A_14 = arith.constant 0 : index
    %get3A_15 = arith.constant 0 : index
    %get3A_16 = vector.load %arg1[%get3A_14, %get3A_15] : memref<512x1664xf32, #tpu.memory_space<vmem>>, vector<512x1664xf32>
    %get3A_17 = arith.constant 0 : index
    %get3A_18 = arith.constant 0 : index
    %get3A_19 = vector.load %arg5[%get3A_17, %get3A_18] : memref<1024x1664xbf16, #tpu.memory_space<vmem>>, vector<1024x1664xbf16>
    %convert_element_type3A = arith.truncf %get3A_16 : vector<512x1664xf32> to vector<512x1664xbf16>
    %dot_general3A = arith.constant dense<0.000000e+00> : vector<512x1024xf32>
    %dot_general3A_20 = tpu.matmul %convert_element_type3A, %get3A_19, %dot_general3A {dimension_numbers = #tpu.dot_dimension_numbers<[1], [1], [0], [0], [0, 0, 1, 0], [], []>, transpose_lhs_hint = false} : vector<512x1664xbf16>, vector<1024x1664xbf16>, vector<512x1024xf32> -> vector<512x1024xf32>
    %get3A_21 = arith.constant 0 : index
    %get3A_22 = arith.constant 0 : index
    %get3A_23 = vector.load %arg6[%get3A_21, %get3A_22] : memref<1024x13xbf16, #tpu.memory_space<vmem>>, vector<1024x13xbf16>
    %convert_element_type3A_24 = arith.truncf %add3A_13 : vector<512x13xf32> to vector<512x13xbf16>
    %dot_general3A_25 = arith.constant dense<0.000000e+00> : vector<512x1024xf32>
    %dot_general3A_26 = tpu.matmul %convert_element_type3A_24, %get3A_23, %dot_general3A_25 {dimension_numbers = #tpu.dot_dimension_numbers<[1], [1], [0], [0], [0, 0, 1, 0], [], []>, transpose_lhs_hint = false} : vector<512x13xbf16>, vector<1024x13xbf16>, vector<512x1024xf32> -> vector<512x1024xf32>
    %add3A_27 = arith.addf %dot_general3A_20, %dot_general3A_26 : vector<512x1024xf32>
    %get3A_28 = arith.constant 0 : index
    %get3A_29 = arith.constant 0 : index
    %get3A_30 = vector.load %arg7[%get3A_28, %get3A_29] : memref<1x1024xf32, #tpu.memory_space<vmem>>, vector<1x1024xf32>
    %add3A_31 = vector.broadcast %get3A_30 : vector<1x1024xf32> to vector<512x1024xf32>
    %add3A_32 = arith.addf %add3A_27, %add3A_31 : vector<512x1024xf32>
    %max3A = arith.constant 0.000000e+00 : f32
    %max3A_33 = vector.broadcast %max3A : f32 to vector<512x1024xf32>
    %max3A_34 = arith.maximumf %add3A_32, %max3A_33 : vector<512x1024xf32>
    %get3A_35 = arith.constant 0 : index
    %get3A_36 = arith.constant 0 : index
    %get3A_37 = vector.load %arg8[%get3A_35, %get3A_36] : memref<1x1024xf32, #tpu.memory_space<vmem>>, vector<1x1024xf32>
    %mul3A_38 = vector.broadcast %div3A_1 : f32 to vector<1x1024xf32>
    %mul3A_39 = arith.mulf %get3A_37, %mul3A_38 : vector<1x1024xf32>
    %mul3A_40 = vector.broadcast %mul3A_39 : vector<1x1024xf32> to vector<512x1024xf32>
    %mul3A_41 = arith.mulf %max3A_34, %mul3A_40 : vector<512x1024xf32>
    %get3A_42 = arith.constant 0 : index
    %get3A_43 = arith.constant 0 : index
    %get3A_44 = vector.load %arg9[%get3A_42, %get3A_43] : memref<1x1024xf32, #tpu.memory_space<vmem>>, vector<1x1024xf32>
    %add3A_45 = vector.broadcast %get3A_44 : vector<1x1024xf32> to vector<512x1024xf32>
    %add3A_46 = arith.addf %mul3A_41, %add3A_45 : vector<512x1024xf32>
    %get3A_47 = arith.constant 0 : index
    %get3A_48 = arith.constant 0 : index
    %get3A_49 = vector.load %arg10[%get3A_47, %get3A_48] : memref<512x1024xbf16, #tpu.memory_space<vmem>>, vector<512x1024xbf16>
    %convert_element_type3A_50 = arith.truncf %add3A_46 : vector<512x1024xf32> to vector<512x1024xbf16>
    %dot_general3A_51 = arith.constant dense<0.000000e+00> : vector<512x512xf32>
    %dot_general3A_52 = tpu.matmul %convert_element_type3A_50, %get3A_49, %dot_general3A_51 {dimension_numbers = #tpu.dot_dimension_numbers<[1], [1], [0], [0], [0, 0, 1, 0], [], []>, transpose_lhs_hint = false} : vector<512x1024xbf16>, vector<512x1024xbf16>, vector<512x512xf32> -> vector<512x512xf32>
    %get3A_53 = arith.constant 0 : index
    %get3A_54 = arith.constant 0 : index
    %get3A_55 = vector.load %arg11[%get3A_53, %get3A_54] : memref<1x512xf32, #tpu.memory_space<vmem>>, vector<1x512xf32>
    %add3A_56 = vector.broadcast %get3A_55 : vector<1x512xf32> to vector<512x512xf32>
    %add3A_57 = arith.addf %dot_general3A_52, %add3A_56 : vector<512x512xf32>
    %max3A_58 = arith.constant 0.000000e+00 : f32
    %max3A_59 = vector.broadcast %max3A_58 : f32 to vector<512x512xf32>
    %max3A_60 = arith.maximumf %add3A_57, %max3A_59 : vector<512x512xf32>
    %get3A_61 = arith.constant 0 : index
    %get3A_62 = arith.constant 0 : index
    %get3A_63 = vector.load %arg12[%get3A_61, %get3A_62] : memref<1x512xf32, #tpu.memory_space<vmem>>, vector<1x512xf32>
    %mul3A_64 = vector.broadcast %div3A_1 : f32 to vector<1x512xf32>
    %mul3A_65 = arith.mulf %get3A_63, %mul3A_64 : vector<1x512xf32>
    %mul3A_66 = vector.broadcast %mul3A_65 : vector<1x512xf32> to vector<512x512xf32>
    %mul3A_67 = arith.mulf %max3A_60, %mul3A_66 : vector<512x512xf32>
    %get3A_68 = arith.constant 0 : index
    %get3A_69 = arith.constant 0 : index
    %get3A_70 = vector.load %arg13[%get3A_68, %get3A_69] : memref<1x512xf32, #tpu.memory_space<vmem>>, vector<1x512xf32>
    %add3A_71 = vector.broadcast %get3A_70 : vector<1x512xf32> to vector<512x512xf32>
    %add3A_72 = arith.addf %mul3A_67, %add3A_71 : vector<512x512xf32>
    %get3A_73 = arith.constant 0 : index
    %get3A_74 = arith.constant 0 : index
    %get3A_75 = vector.load %arg14[%get3A_73, %get3A_74] : memref<256x512xbf16, #tpu.memory_space<vmem>>, vector<256x512xbf16>
    %convert_element_type3A_76 = arith.truncf %add3A_72 : vector<512x512xf32> to vector<512x512xbf16>
    %dot_general3A_77 = arith.constant dense<0.000000e+00> : vector<512x256xf32>
    %dot_general3A_78 = tpu.matmul %convert_element_type3A_76, %get3A_75, %dot_general3A_77 {dimension_numbers = #tpu.dot_dimension_numbers<[1], [1], [0], [0], [0, 0, 1, 0], [], []>, transpose_lhs_hint = false} : vector<512x512xbf16>, vector<256x512xbf16>, vector<512x256xf32> -> vector<512x256xf32>
    %get3A_79 = arith.constant 0 : index
    %get3A_80 = arith.constant 0 : index
    %get3A_81 = vector.load %arg15[%get3A_79, %get3A_80] : memref<1x256xf32, #tpu.memory_space<vmem>>, vector<1x256xf32>
    %add3A_82 = vector.broadcast %get3A_81 : vector<1x256xf32> to vector<512x256xf32>
    %add3A_83 = arith.addf %dot_general3A_78, %add3A_82 : vector<512x256xf32>
    %max3A_84 = arith.constant 0.000000e+00 : f32
    %max3A_85 = vector.broadcast %max3A_84 : f32 to vector<512x256xf32>
    %max3A_86 = arith.maximumf %add3A_83, %max3A_85 : vector<512x256xf32>
    %get3A_87 = arith.constant 0 : index
    %get3A_88 = arith.constant 0 : index
    %get3A_89 = vector.load %arg16[%get3A_87, %get3A_88] : memref<1x256xf32, #tpu.memory_space<vmem>>, vector<1x256xf32>
    %mul3A_90 = vector.broadcast %div3A_1 : f32 to vector<1x256xf32>
    %mul3A_91 = arith.mulf %get3A_89, %mul3A_90 : vector<1x256xf32>
    %mul3A_92 = vector.broadcast %mul3A_91 : vector<1x256xf32> to vector<512x256xf32>
    %mul3A_93 = arith.mulf %max3A_86, %mul3A_92 : vector<512x256xf32>
    %get3A_94 = arith.constant 0 : index
    %get3A_95 = arith.constant 0 : index
    %get3A_96 = vector.load %arg17[%get3A_94, %get3A_95] : memref<1x256xf32, #tpu.memory_space<vmem>>, vector<1x256xf32>
    %add3A_97 = vector.broadcast %get3A_96 : vector<1x256xf32> to vector<512x256xf32>
    %add3A_98 = arith.addf %mul3A_93, %add3A_97 : vector<512x256xf32>
    %get3A_99 = arith.constant 0 : index
    %get3A_100 = arith.constant 0 : index
    %get3A_101 = vector.load %arg18[%get3A_99, %get3A_100] : memref<1x256xf32, #tpu.memory_space<vmem>>, vector<1x256xf32>
    %mul3A_102 = vector.broadcast %get3A_101 : vector<1x256xf32> to vector<512x256xf32>
    %mul3A_103 = arith.mulf %add3A_98, %mul3A_102 : vector<512x256xf32>
    %reduce_sum3A = arith.constant dense<0.000000e+00> : vector<512xf32>
    %reduce_sum3A_104 = vector.multi_reduction <add>, %mul3A_103, %reduce_sum3A [1] : vector<512x256xf32> to vector<512xf32>
    %broadcast_in_dim3A = vector.shape_cast %reduce_sum3A_104 : vector<512xf32> to vector<512x1xf32>
    %get3A_105 = arith.constant 0 : index
    %get3A_106 = arith.constant 0 : index
    %get3A_107 = vector.load %arg19[%get3A_105, %get3A_106] : memref<1x1xf32, #tpu.memory_space<vmem>>, vector<1x1xf32>
    %add3A_108 = vector.broadcast %get3A_107 : vector<1x1xf32> to vector<512x1xf32>
    %add3A_109 = arith.addf %broadcast_in_dim3A, %add3A_108 : vector<512x1xf32>
    %swap3A = arith.constant 0 : index
    %swap3A_110 = arith.constant 0 : index
    %swap3A_111 = vector.load %arg20[%swap3A, %swap3A_110] : memref<512x1xf32, #tpu.memory_space<vmem>>, vector<512x1xf32>
    tpu.vector_store %arg20[%swap3A, %swap3A_110], %add3A_109 {strides = array<i32>} : memref<512x1xf32, #tpu.memory_space<vmem>>, vector<512x1xf32>,
    return
  }
  func.func @transform_0(%arg0: i32) -> (i32, i32) {
    %c0_i32 = arith.constant 0 : i32
    %c0_i32_0 = arith.constant 0 : i32
    return %arg0, %c0_i32 : i32, i32
  }
  func.func @transform_1(%arg0: i32) -> (i32, i32) {
    %c0_i32 = arith.constant 0 : i32
    %c0_i32_0 = arith.constant 0 : i32
    return %arg0, %c0_i32 : i32, i32
  }
  func.func @transform_2(%arg0: i32) -> (i32, i32) {
    %c0_i32 = arith.constant 0 : i32
    %c0_i32_0 = arith.constant 0 : i32
    %c0_i32_1 = arith.constant 0 : i32
    return %c0_i32, %c0_i32_0 : i32, i32
  }
  func.func @transform_3(%arg0: i32) -> (i32, i32) {
    %c0_i32 = arith.constant 0 : i32
    %c0_i32_0 = arith.constant 0 : i32
    %c0_i32_1 = arith.constant 0 : i32
    return %c0_i32, %c0_i32_0 : i32, i32
  }
  func.func @transform_4(%arg0: i32) -> (i32, i32) {
    %c0_i32 = arith.constant 0 : i32
    %c0_i32_0 = arith.constant 0 : i32
    %c0_i32_1 = arith.constant 0 : i32
    return %c0_i32, %c0_i32_0 : i32, i32
  }
  func.func @transform_5(%arg0: i32) -> (i32, i32) {
    %c0_i32 = arith.constant 0 : i32
    %c0_i32_0 = arith.constant 0 : i32
    %c0_i32_1 = arith.constant 0 : i32
    return %c0_i32, %c0_i32_0 : i32, i32
  }
  func.func @transform_6(%arg0: i32) -> (i32, i32) {
    %c0_i32 = arith.constant 0 : i32
    %c0_i32_0 = arith.constant 0 : i32
    %c0_i32_1 = arith.constant 0 : i32
    return %c0_i32, %c0_i32_0 : i32, i32
  }
  func.func @transform_7(%arg0: i32) -> (i32, i32) {
    %c0_i32 = arith.constant 0 : i32
    %c0_i32_0 = arith.constant 0 : i32
    %c0_i32_1 = arith.constant 0 : i32
    return %c0_i32, %c0_i32_0 : i32, i32
  }
  func.func @transform_8(%arg0: i32) -> (i32, i32) {
    %c0_i32 = arith.constant 0 : i32
    %c0_i32_0 = arith.constant 0 : i32
    %c0_i32_1 = arith.constant 0 : i32
    return %c0_i32, %c0_i32_0 : i32, i32
  }
  func.func @transform_9(%arg0: i32) -> (i32, i32) {
    %c0_i32 = arith.constant 0 : i32
    %c0_i32_0 = arith.constant 0 : i32
    %c0_i32_1 = arith.constant 0 : i32
    return %c0_i32, %c0_i32_0 : i32, i32
  }
  func.func @transform_10(%arg0: i32) -> (i32, i32) {
    %c0_i32 = arith.constant 0 : i32
    %c0_i32_0 = arith.constant 0 : i32
    %c0_i32_1 = arith.constant 0 : i32
    return %c0_i32, %c0_i32_0 : i32, i32
  }
  func.func @transform_11(%arg0: i32) -> (i32, i32) {
    %c0_i32 = arith.constant 0 : i32
    %c0_i32_0 = arith.constant 0 : i32
    %c0_i32_1 = arith.constant 0 : i32
    return %c0_i32, %c0_i32_0 : i32, i32
  }
  func.func @transform_12(%arg0: i32) -> (i32, i32) {
    %c0_i32 = arith.constant 0 : i32
    %c0_i32_0 = arith.constant 0 : i32
    %c0_i32_1 = arith.constant 0 : i32
    return %c0_i32, %c0_i32_0 : i32, i32
  }
  func.func @transform_13(%arg0: i32) -> (i32, i32) {
    %c0_i32 = arith.constant 0 : i32
    %c0_i32_0 = arith.constant 0 : i32
    %c0_i32_1 = arith.constant 0 : i32
    return %c0_i32, %c0_i32_0 : i32, i32
  }
  func.func @transform_14(%arg0: i32) -> (i32, i32) {
    %c0_i32 = arith.constant 0 : i32
    %c0_i32_0 = arith.constant 0 : i32
    %c0_i32_1 = arith.constant 0 : i32
    return %c0_i32, %c0_i32_0 : i32, i32
  }
  func.func @transform_15(%arg0: i32) -> (i32, i32) {
    %c0_i32 = arith.constant 0 : i32
    %c0_i32_0 = arith.constant 0 : i32
    %c0_i32_1 = arith.constant 0 : i32
    return %c0_i32, %c0_i32_0 : i32, i32
  }
  func.func @transform_16(%arg0: i32) -> (i32, i32) {
    %c0_i32 = arith.constant 0 : i32
    %c0_i32_0 = arith.constant 0 : i32
    %c0_i32_1 = arith.constant 0 : i32
    return %c0_i32, %c0_i32_0 : i32, i32
  }
  func.func @transform_17(%arg0: i32) -> (i32, i32) {
    %c0_i32 = arith.constant 0 : i32
    %c0_i32_0 = arith.constant 0 : i32
    %c0_i32_1 = arith.constant 0 : i32
    return %c0_i32, %c0_i32_0 : i32, i32
  }
  func.func @transform_18(%arg0: i32) -> (i32, i32) {
    %c0_i32 = arith.constant 0 : i32
    %c0_i32_0 = arith.constant 0 : i32
    %c0_i32_1 = arith.constant 0 : i32
    return %c0_i32, %c0_i32_0 : i32, i32
  }
  func.func @transform_19(%arg0: i32) -> (i32, i32) {
    %c0_i32 = arith.constant 0 : i32
    %c0_i32_0 = arith.constant 0 : i32
    return %arg0, %c0_i32 : i32, i32
  }
}

</mosaic_0001>

<sc_bundles>
// kernel: kernel.6.cloned.1.call-start
scs
__scs_entry_jumppad:
0x0: {  	(pc) =	sbr.rel $0x88, $3  }
0x1: {  	(tag) =	ssettag $0x0;
	lr =	simm.s32 $0x1  }
0x2: {  	[smem:$0x3F8E] =	sst lr;
	_ =	strace $0xD0000000  }
0x3: {  	_ = 	snop  }
0x4: {  	_ = 	snop  }
0x5: {  	_ = 	snop  }
0x6: {  	_ = 	snop  }
0x7: {  	_ = 	snop  }
__scs_overlays_trampoline_lowered:
0x8: {  	[smem:$0x3F9D] =	sst s0  }
0x9: {  	[smem:$0x3F9E] =	sst s1  }
0xa: {  	[smem:$0x3F9F] =	sst s2  }
0xb: {  	[smem:$0x3FA0] =	sst s3  }
0xc: {  	[smem:$0x3FA1] =	sst s4  }
0xd: {  	[smem:$0x3FA2] =	sst s5  }
0xe: {  	[smem:$0x3FA3] =	sst s6  }
0xf: {  	[smem:$0x3FA4] =	sst s7  }
0x10: {  	[smem:$0x3FA5] =	sst s8  }
0x11: {  	[smem:$0x3FA6] =	sst s9;
	s0 =	simm.s32 @!p0 $0x0  }
0x12: {  	s1 =	sld [smem:$0x3F8C];
	s0 =	simm.s32 @p0 $0x1  }
0x13: {  	[smem:$0x3FA7] =	sst s0;
	s0 =	simm.s32 @!p1 $0x0  }
0x14: {  	s2 =	sld [smem:$0x3F8B];
	s0 =	simm.s32 @p1 $0x1  }
0x15: {  	[smem:$0x3FA8] =	sst s0;
	s0 =	simm.s32 @!p2 $0x0  }
0x16: {  	s3 =	sld [smem:$0x3FDB];
	s0 =	simm.s32 @p2 $0x1  }
0x17: {  	s4 =	simm.s32 $0x1BF5;
	[smem:$0x3FAA] =	sst s0  }
0x18: {  	s0 =	sld [smem:$0x3F8D];
	_ =	swait.ge [sflag:s4], $0x0  }
0x19: {  	s7 =	sld [smem:$0x3F8E]  }
0x1a: {  	s8 =	sadd.s32 $0xFFFFE003, lr  }
0x1b: {  	s9 =	sadd.s32 $0xFFFFFEF7, lr;
	s5 =	simm.s32 $0xFFFFFFFF;
	p2 =	slt.u32 s8, $0xFFFFF086  }
0x1c: {  	p1 =	slt.u32 s9, $0xF7A;
	s5 =	simm.s32 @!p2 $0x0  }
0x1d: {  	s5 =	simm.s32 @p1 $0x1;
	p0 =	seq.s32 s7, s2  }
0x1e: {  	s7 =	smul.u32 @!p0 $0xF7A, s2;
	p2 =	seq.s32 @!p0 s5, $0x0  }
0x1f: {  	s9 =	smul.u32 $0xF7A, s1;
	s8 =	simm.s32 @!p0 $0x1BF5;
	p2 =	por !p2, p0  }
0x20: {  	[sflag:s8] =	ssyncset.s32 @!p0 $0xFFFFF086;
	s6 =	sadd.s32 @!p0 s3, s7;
	s7 =	simm.s32 @!p0 $0x108  }
0x21: {  	s3 =	sadd.s32 s3, s9;
	s6 =	sadd.s32 @!p0 $0x88, s6;
	s7 =	simm.s32 @p2 $0x1082  }
0x22: {  	[simem:s7], [sflag:s8] =	dma.local @!p0 [hbm:s6], $0xF7A  }
0x23: {  	s9 =	sor.u32 $0xD0000000, s2;
	s6 =	simm.s32 $0x108;
	_ =	swait.ge @!p0 [sflag:s8], $0x0  }
0x24: {  	s3 =	sadd.s32 $0x88, s3;
	s6 =	simm.s32 @!p1 $0x1082;
	[sflag:s4] =	ssyncset.s32 $0xFFFFF086  }
0x25: {  	[simem:s6], [sflag:s4] =	dma.local [hbm:s3], $0xF7A  }
0x26: {  	[smem:$0x3F8E] =	sst s1;
	(tag) =	ssettag s2;
	_ =	strace s9  }
0x27: {  	s1 =	sld [smem:$0x3F9E]  }
0x28: {  	s2 =	sld [smem:$0x3F9F]  }
0x29: {  	s4 =	sld [smem:$0x3FA1]  }
0x2a: {  	p0 =	seq.s32 s5, $0x0;
	s5 =	sld [smem:$0x3FA2]  }
0x2b: {  	s6 =	sld [smem:$0x3FA3]  }
0x2c: {  	s7 =	sld [smem:$0x3FA4]  }
0x2d: {  	s3 =	simm.s32 $0x108;
	s8 =	sld [smem:$0x3FA5]  }
0x2e: {  	s3 =	simm.s32 @!p0 $0x1082;
	s9 =	sld [smem:$0x3FA6]  }
0x2f: {  	lr =	sadd.s32 s0, s3;
	s0 =	sld [smem:$0x3F9D]  }
0x30: {  	s3 =	sld [smem:$0x3FA0]  }
0x31: {  	[smem:$0x3FA9] =	sst s10  }
0x32: {  	s10 =	sld [smem:$0x3FA7];
	_ =	sdelay $0x3  }
0x33: {  	p0 =	seq.s32 s10, $0x1;
	s10 =	sld [smem:$0x3FA9];
	_ =	sdelay $0x3  }
0x34: {  	[smem:$0x3FA9] =	sst s10  }
0x35: {  	s10 =	sld [smem:$0x3FA8];
	_ =	sdelay $0x3  }
0x36: {  	p1 =	seq.s32 s10, $0x1;
	s10 =	sld [smem:$0x3FA9];
	_ =	sdelay $0x3  }
0x37: {  	[smem:$0x3FA9] =	sst s10  }
0x38: {  	s10 =	sld [smem:$0x3FAA]  }
0x39: {  	_ = 	snop;
	(pc) =	sbr.ind lr, $3  }
0x3a: {  	_ = 	snop  }
0x3b: {  	_ = 	snop  }
0x3c: {  	p2 =	seq.s32 s10, $0x1;
	s10 =	sld [smem:$0x3FA9]  }
0x3d: {  	_ =	shalt  }
0x3e: {  	_ =	shalt  }
0x3f: {  	_ =	shalt  }
0x40: {  	_ =	shalt  }
0x41: {  	_ =	shalt  }
0x42: {  	_ =	shalt  }
0x43: {  	_ =	shalt  }
0x44: {  	_ =	shalt  }
0x45: {  	_ =	shalt  }
0x46: {  	_ =	shalt  }
0x47: {  	_ =	shalt  }
0x48: {  	_ =	shalt  }
0x49: {  	_ =	shalt  }
0x4a: {  	_ =	shalt  }
0x4b: {  	_ =	shalt  }
0x4c: {  	_ =	shalt  }
0x4d: {  	_ =	shalt  }
0x4e: {  	_ =	shalt  }
0x4f: {  	_ =	shalt  }
0x50: {  	_ =	shalt  }
0x51: {  	_ =	shalt  }
0x52: {  	_ =	shalt  }
0x53: {  	_ =	shalt  }
0x54: {  	_ =	shalt  }
0x55: {  	_ =	shalt  }
0x56: {  	_ =	shalt  }
0x57: {  	_ =	shalt  }
0x58: {  	_ =	shalt  }
0x59: {  	_ =	shalt  }
0x5a: {  	_ =	shalt  }
0x5b: {  	_ =	shalt  }
0x5c: {  	_ =	shalt  }
0x5d: {  	_ =	shalt  }
0x5e: {  	_ =	shalt  }
0x5f: {  	_ =	shalt  }
0x60: {  	_ =	shalt  }
0x61: {  	_ =	shalt  }
0x62: {  	_ =	shalt  }
0x63: {  	_ =	shalt  }
0x64: {  	_ =	shalt  }
0x65: {  	_ =	shalt  }
0x66: {  	_ =	shalt  }
0x67: {  	_ =	shalt  }
0x68: {  	_ =	shalt  }
0x69: {  	_ =	shalt  }
0x6a: {  	_ =	shalt  }
0x6b: {  	_ =	shalt  }
0x6c: {  	_ =	shalt  }
0x6d: {  	_ =	shalt  }
0x6e: {  	_ =	shalt  }
0x6f: {  	_ =	shalt  }
0x70: {  	_ =	shalt  }
0x71: {  	_ =	shalt  }
0x72: {  	_ =	shalt  }
0x73: {  	_ =	shalt  }
0x74: {  	_ =	shalt  }
0x75: {  	_ =	shalt  }
0x76: {  	_ =	shalt  }
0x77: {  	_ =	shalt  }
0x78: {  	_ =	shalt  }
0x79: {  	_ =	shalt  }
0x7a: {  	_ =	shalt  }
0x7b: {  	_ =	shalt  }
0x7c: {  	_ =	shalt  }
0x7d: {  	_ =	shalt  }
0x7e: {  	_ =	shalt  }
0x7f: {  	_ =	shalt  }
0x80: {  	_ =	shalt  }
0x81: {  	_ =	shalt  }
0x82: {  	_ =	shalt  }
0x83: {  	_ =	shalt  }
0x84: {  	_ =	shalt  }
0x85: {  	_ =	shalt  }
0x86: {  	_ =	shalt  }
0x87: {  	_ =	shalt  }
.Lfunc_end0:
.L_simem_size_0:
called_computation_lowered:
.L_overlay_start_0:
0x88: {  	s2 =	sld [smem:$0x3FD9]  }
0x89: {  	s3 =	sld [smem:$0x3FFE];
	_ =	sdelay $0x1  }
0x8a: {  	s1 =	srdreg.scid  }
0x8b: {  	s0 =	sand.u32 $0x1, s1  }
0x8c: {  	s17 =	sshll.u32 s0, $0xA;
	s2 =	sadd.s32 s3, s2  }
0x8d: {  	s2 =	sadd.s32 s2, s17  }
0x8e: {  	[smem:$0x3FB5] =	sst s2  }
0x8f: {  	_ = 	snop  }
0x90: {  	(tm) =	ssettm $0x1  }
0x91: {  	s18 =	sld [smem:$0x3FFB];
	_ =	sdelay $0x3  }
0x92: {  	_ =	strace s18  }
0x93: {  	s2 =	sld [smem:$0x3FFC];
	_ =	sdelay $0x3  }
0x94: {  	_ =	strace s2  }
0x95: {  	s2 =	sld [smem:$0x3FFD];
	_ =	sdelay $0x3  }
0x96: {  	_ =	strace s2  }
0x97: {  	_ =	strace $0x8FFFFFFF  }
0x98: {  	s19 =	sld [smem:$0x3FDB];
	_ =	sdelay $0x1  }
0x99: {  	s20 =	simm.s32 $_scs_section_size  }
0x9a: {  	s4 =	simm.s32 $_size__tile_overlayer_lowered;
	s5 =	simm.s32 $_tile_overlayer_lowered  }
0x9b: {  	s6 =	simm.s32 $0x1BFF;
	s21 =	sshll.u32 s5, $0x1;
	s3 =	sadd.s32 s20, s19  }
0x9c: {  	s22 =	simm.s32 $0x0;
	s4 =	sshll.u32 s4, $0x1;
	s5 =	sadd.s32 s21, s3  }
0x9d: {  	[timem:s22], [sflag:s6] =	dma.local [hbm:s5], s4  }
0x9e: {  	_ =	swait.ge [sflag:s6], s4  }
0x9f: {  	s4 =	ssub.s32 $0x0, s4;
	[sflag:s6] =	ssyncset.done $0x0  }
0xa0: {  	[sflag:s6] =	ssyncadd.s32 s4;
	_ =	sdelay $0x1  }
0xa1: {  	s23 =	simm.s32 $0x1B8B  }
0xa2: {  	_ =	swait.ge [sflag:s23], $0x1  }
0xa3: {  	[sflag:s23] =	ssyncset.done $0x0  }
0xa4: {  	[sflag:s23] =	ssyncadd.s32 $0xFFFFFFFF  }
0xa5: {  	s4 =	sld [smem:$0x0]  }
0xa6: {  	s5 =	sand.u32 $0xFFFFFFFE, s1  }
0xa7: {  	p0 =	sne.s32 s1, s5  }
0xa8: {  	s5 =	sshll.u32 @p0 s5, $0xE  }
0xa9: {  	s5 =	sadd.s32 @p0 $0x11B8D, s5;
	s6 =	sshll.u32 @p0 s4, $0x11  }
0xaa: {  	s5 =	sor.u32 @p0 s6, s5  }
0xab: {  	[sflag:s5] =	ssyncadd.remote.s32 @p0 $0x1;
	_ =	sdelay $0x1  }
0xac: {  	s5 =	simm.s32 @p0 $0x1B8D  }
0xad: {  	_ =	swait.eq @p0 [sflag:s5], $0x1  }
0xae: {  	[sflag:s5] =	ssyncadd.s32 @p0 $0xFFFFFFFF  }
0xaf: {  	s6 =	sshll.u32 @!p0 s1, $0xE  }
0xb0: {  	s6 =	sor.u32 @!p0 $0x4000, s6;
	s5 =	simm.s32 @!p0 $0x1B8D  }
0xb1: {  	s4 =	sshll.u32 @!p0 s4, $0x11;
	s6 =	sadd.s32 @!p0 $0x11B8D, s6;
	_ =	swait.eq @!p0 [sflag:s5], $0x1  }
0xb2: {  	s4 =	sor.u32 @!p0 s4, s6;
	[sflag:s5] =	ssyncadd.s32 @!p0 $0xFFFFFFFF  }
0xb3: {  	s25 =	simm.s32 $0x1B8E;
	s24 =	sld [smem:$0x3FFE];
	[sflag:s4] =	ssyncadd.remote.s32 @!p0 $0x1  }
0xb4: {  	s26 =	simm.s32 $execute0_lowered;
	[smem:$0x3FD2] =	sst s25  }
0xb5: {  	s5 =	sshll.u32 s26, $0x1;
	_ =	strace $0x80000049;
	[dreg:$0x1] =	wrdreg $0xFFFFFFFF  }
0xb6: {  	s28 =	simm.s32 $_size_execute0_lowered;
	s3 =	sadd.s32 s3, s5;
	[dreg:$0x0] =	wrdreg $0x0  }
0xb7: {  	s5 =	sshll.u32 s28, $0x1;
	[dreg:$0x2] =	wrdreg s3  }
0xb8: {  	[dreg:$0x3] =	wrdreg s5  }
0xb9: {  	[dreg:$0x4] =	wrdreg $0xC0  }
0xba: {  	_ =	task [dreg:s22], $0x5FFFF  }
0xbb: {  	[dreg:$0x1] =	wrdreg $0xFFFFFFFF  }
0xbc: {  	[dreg:$0x0] =	wrdreg $0x60  }
0xbd: {  	[dreg:$0x2] =	wrdreg s24  }
0xbe: {  	[dreg:$0x3] =	wrdreg $0x9  }
0xbf: {  	_ =	task.clear_ibuf [dreg:s22], $0x4FFFF;
	_ =	strace $0x90000049  }
0xc0: {  	s29 =	simm.s32 $0x9;
	_ =	strace $0x8000004B  }
0xc1: {  	_ =	swait.ge [sflag:s29], $0x1  }
0xc2: {  	[sflag:s29] =	ssyncadd.s32 $0xFFFFFFFF  }
0xc3: {  	_ =	strace $0x9000004B  }
0xc4: {  	_ =	sfence  }
0xc5: {  	s30 =	sld [smem:$0x0];
	_ =	sdelay $0x2  }
0xc6: {  	s31 =	sshll.u32 s1, $0xD;
	s1 =	sshrl.u32 s1, $0x2  }
0xc7: {  	s4 =	sand.u32 $0x4000, s31;
	s1 =	sadd.s32 s1, s30  }
0xc8: {  	s0 =	sor.u32 s4, s0;
	s1 =	sshll.u32 s1, $0x11  }
0xc9: {  	s0 =	sor.u32 s1, s0  }
0xca: {  	s0 =	sadd.s32 $0x8F2B, s0  }
0xcb: {  	[sflag:s0] =	ssyncadd.remote.s32 $0x1  }
0xcc: {  	_ =	sfence.sel $0xFFFF  }
0xcd: {  	[dreg:$0x0] =	wrdreg $0xFFFFFFFF;
	(pc) =	sbr.abs _section_cstart, $3  }
0xce: {  	[dreg:$0x1] =	wrdreg $0xFFFFFFFF  }
0xcf: {  	_ =	task.clear_ibuf [dreg:s22], $0x2FFFF;
	_ =	strace $0x9FFFFFFF  }
0xd0: {  	(tm) =	ssettm $0x7FFFFFFF  }
0xd1: {  	_ =	shalt  }
tec
execute0_lowered:
.L_overlay_start_1:
0x0: {  	(tag) =	ssettag $0x1  }
0x1: {  	s1 =	srdreg.scid  }
0x2: {  	s0 =	stileid.u32;
	s4 =	rddreg [dreg:$0x0];
	s2 =	simm.s32 $0x0  }
0x3: {  	s9 =	simm.s32 $0x680;
	s10 =	simm.s32 $0x780;
	s11 =	simm.s32 $0x3  }
0x4: {  	s12 =	simm.s32 $0x4;
	s13 =	simm.s32 $0x80;
	s14 =	simm.s32 $0x0  }
0x5: {  	s3 =	sand.u32 $0x1, s1;
	s5 =	sshll.u32 s0, $0x1;
	s1 =	rddreg [dreg:$0x1]  }
.Ltmp0:
0x6: {  	[smem:$0x7FF] =	sst s2;
	s6 =	sor.u32 s3, s5;
	(pc) =	sbr.rel .LBB2_1-.Ltmp0, $4  }
0x7: {  	_ =	strace $0x8000004A;
	s7 =	ssub.s32 $0x2, s3;
	s5 =	smul.u32 $0xD0, s6  }
0x8: {  	s3 =	sadd.s32 $0x4E00, s4;
	s8 =	sshrl.u32 s7, $0x1;
	s6 =	smul.u32 $0x1A000, s6  }
0x9: {  	s7 =	ssub.s32 s7, s8;
	s8 =	simm.s32 $0x5;
	s5 =	sadd.s32 s5, s4  }
0xa: {  	v0 =	vlaneseq.u32;
	s4 =	sadd.s32 $0xA1600, s4;
	s7 =	smax.u32 s7, $0x1;
	s5 =	sadd.s32 $0x9FC00, s5  }
.LBB2_8:
0xb: {  	s14 =	sadd.s32 $0x1, s14  }
0xc: {  	_ =	swait.ge [sflag:s11], $0x2000;
	p0 =	sne.s32 s14, s7  }
.Ltmp1:
0xd: {  	[sflag:s11] =	ssyncset.done $0x0;
	(pc) =	sbr.rel @!p0 .LBB2_9-.Ltmp1, $4  }
0xe: {  	[sflag:s11] =	ssyncadd.s32 $0xFFFFE000  }
0xf: {  	_ =	swait.ge [sflag:s12], $0x2000  }
0x10: {  	[sflag:s12] =	ssyncset.done $0x0  }
0x11: {  	[sflag:s12] =	ssyncadd.s32 $0xFFFFE000  }
.LBB2_1:
0x12: {  	[tilespmem:s2], [sflag:$0x5] =	stream.linear.gather [hbm4b:s5+s2], $0x680, $0x38;
	v1 =	vor.u32 s2, v0;
	[tilespmem:$0x4780] =	vst v63  }
0x13: {  	_ =	swait.ge [sflag:s8], $0x680;
	v2 =	vmulhi.u32 $0x4EC4EC4F, v1  }
0x14: {  	[sflag:s8] =	ssyncset.done $0x0  }
0x15: {  	[sflag:s8] =	ssyncadd.s32 $0xFFFFF980;
	v2 =	vshrl.u32 v2, $0x3  }
0x16: {  	s15 =	simm.s32 $0x10;
	v3 =	vld [tilespmem:s2+$0x0];
	v2 =	vmul.u32 $0x1A, v2  }
0x17: {  	v4 =	vor.u32 s15, v0  }
0x18: {  	v5 =	vmulhi.u32 $0x4EC4EC4F, v4;
	v1 =	vsub.s32 v1, v2  }
0x19: {  	v1 =	vmul.u32 $0x3E8, v1  }
0x1a: {  	v2 =	vshrl.u32 v5, $0x3  }
0x1b: {  	v2 =	vmul.u32 $0x1A, v2;
	v1 =	vadd.s32 v1, v3  }
0x1c: {  	[tilespmem:s9+$0x0] =	vst v1  }
0x1d: {  	v3 =	vsub.s32 v4, v2;
	v2 =	vld [tilespmem:s15+$0x0];
	_ =	sdelay $0x1  }
0x1e: {  	s16 =	simm.s32 $0x20  }
0x1f: {  	s17 =	simm.s32 $0x30;
	v1 =	vor.u32 s16, v0;
	v3 =	vmul.u32 $0x3E8, v3;
	s16 =	simm.s32 $0x680  }
.LBB2_2:
0x20: {  	p0 =	sne.s32 s17, $0x70;
	v4 =	vmulhi.u32 $0x4EC4EC4F, v1  }
0x21: {  	s16 =	sadd.s32 $0x10, s16;
	v2 =	vadd.s32 v3, v2  }
.Ltmp2:
0x22: {  	s15 =	sadd.s32 $0x10, s15;
	v3 =	vshrl.u32 v4, $0x3;
	[tilespmem:s16+$0x0] =	vst v2;
	(pc) =	sbr.rel @p0 .LBB2_2-.Ltmp2, $3  }
0x23: {  	v2 =	vld [tilespmem:s15+$0x0];
	v3 =	vmul.u32 $0x1A, v3;
	_ =	sdelay $0x1  }
0x24: {  	v3 =	vsub.s32 v1, v3  }
0x25: {  	v1 =	vor.u32 s17, v0;
	s17 =	sadd.s32 $0x10, s17;
	v3 =	vmul.u32 $0x3E8, v3  }
0x26: {  	v4 =	vmulhi.u32 $0x4EC4EC4F, v1  }
0x27: {  	s16 =	sadd.s32 $0x10, s16;
	v2 =	vadd.s32 v3, v2  }
0x28: {  	s15 =	sadd.s32 $0x10, s15;
	v3 =	vshrl.u32 v4, $0x3;
	[tilespmem:s16+$0x0] =	vst v2  }
0x29: {  	v2 =	vld [tilespmem:s15+$0x0];
	v3 =	vmul.u32 $0x1A, v3;
	_ =	sdelay $0x1  }
0x2a: {  	v1 =	vsub.s32 v1, v3  }
0x2b: {  	v1 =	vmul.u32 $0x3E8, v1;
	_ =	sdelay $0x1  }
0x2c: {  	s17 =	simm.s32 $0x0;
	s31 =	sadd.s32 $0x10, s16;
	v1 =	vadd.s32 v1, v2  }
0x2d: {  	p0 =	por $0x1, $0x1;
	s16 =	simm.s32 $0x80;
	s15 =	simm.s32 $0x80;
	[tilespmem:s31+$0x0] =	vst v1  }
0x2e: {  	[tilespmem:s10], [sflag:$0x1] =	stream.indirect.gather [hbm4b:s3+s15], $0x40, s9, s15, $0xb8;
	[tilespmem:$0x4780] =	vst v63  }
.LBB2_4:
0x2f: {  	s18 =	sand.u32 $0x1, s17;
	p1 =	seq.s32 s17, $0xC  }
.Ltmp3:
0x30: {  	s20 =	sshll.u32 s17, $0xD;
	s19 =	sadd.s32 $0x1, s18;
	(pc) =	sbr.rel @p1 .LBB2_8-.Ltmp3, $4  }
0x31: {  	s20 =	sadd.s32 s6, s20;
	s31 =	sshll.u32 s18, $0xD;
	_ =	swait.ge [sflag:s19], $0x2000  }
0x32: {  	s21 =	sadd.s32 $0x3, s18;
	s20 =	sshrl.u32 s20, $0x3;
	[sflag:s19] =	ssyncset.done $0x0  }
0x33: {  	s20 =	sadd.s32 s4, s20;
	[sflag:s19] =	ssyncadd.s32 $0xFFFFE000;
	s19 =	sor.u32 $0x780, s31  }
0x34: {  	[hbm4b:s20+s2] =	stream.linear.scatter [tilespmem:s19], [sflag:s21], $0x2000, $0x38;
	[tilespmem:$0x4780] =	vst v63  }
0x35: {  	v2 =	vor.u32 s15, v0;
	v1 =	vmov s16  }
0x36: {  	v3 =	vmulhi.u32 $0x4EC4EC4F, v2  }
0x37: {  	s19 =	simm.s32 $0x1  }
0x38: {  	s19 =	simm.s32 @!p0 $0x0;
	v3 =	vshrl.u32 v3, $0x3  }
0x39: {  	s21 =	simm.s32 $0x0;
	s19 =	sshll.u32 s19, $0x7;
	v3 =	vmul.u32 $0x1A, v3  }
0x3a: {  	s23 =	sadd.s32 $0x680, s19;
	v4 =	vld.idx.msk [tilespmem:v1+s21+$0x0 ss:$0x1], $0xffff  }
0x3b: {  	v3 =	vsub.s32 v2, v3;
	v2 =	vmov s23  }
0x3c: {  	s19 =	sxor.u32 $0x1, s18  }
0x3d: {  	s22 =	sadd.s32 $0x10, s15;
	s24 =	simm.s32 $0x80;
	s20 =	sshll.u32 s19, $0x7;
	v5 =	vmul.u32 $0x3E8, v3  }
0x3e: {  	s18 =	sadd.s32 $0x1, s17;
	s20 =	sadd.s32 $0x680, s20;
	s23 =	simm.s32 $0x40;
	v3 =	vor.u32 s22, v0  }
.LBB2_6:
0x3f: {  	p1 =	sne.s32 s24, $0x1C0;
	v6 =	vmulhi.u32 $0x4EC4EC4F, v3;
	v4 =	vadd.s32 v5, v4  }
0x40: {  	[tilespmem:v2+s21+$0x0 ss:$0x1] =	vst.idx.msk $0xffff, v4;
	s21 =	sshra.s32 s23, $0x2;
	s23 =	smov.u32 s24  }
0x41: {  	v4 =	vld.idx.msk [tilespmem:v1+s21+$0x0 ss:$0x1], $0xffff;
	v5 =	vshrl.u32 v6, $0x3  }
.Ltmp4:
0x42: {  	v5 =	vmul.u32 $0x1A, v5;
	(pc) =	sbr.rel @p1 .LBB2_6-.Ltmp4, $4  }
0x43: {  	_ = 	snop  }
0x44: {  	v3 =	vsub.s32 v3, v5  }
0x45: {  	s22 =	sadd.s32 $0x10, s22;
	v5 =	vmul.u32 $0x3E8, v3  }
0x46: {  	s24 =	sadd.s32 $0x40, s24;
	v3 =	vor.u32 s22, v0  }
0x47: {  	_ =	sdelay $0x1  }
0x48: {  	v6 =	vmulhi.u32 $0x4EC4EC4F, v3  }
0x49: {  	v4 =	vadd.s32 v5, v4  }
0x4a: {  	s22 =	sshra.s32 s23, $0x2;
	[tilespmem:v2+s21+$0x0 ss:$0x1] =	vst.idx.msk $0xffff, v4;
	v63 =	vshrl.u32 v6, $0x3  }
0x4b: {  	v1 =	vld.idx.msk [tilespmem:v1+s22+$0x0 ss:$0x1], $0xffff;
	v4 =	vmul.u32 $0x1A, v63;
	_ =	sdelay $0x1  }
0x4c: {  	v3 =	vsub.s32 v3, v4  }
0x4d: {  	v3 =	vmul.u32 $0x3E8, v3;
	_ =	sdelay $0x1  }
0x4e: {  	p1 =	seq.s32 s17, $0x0;
	v1 =	vadd.s32 v3, v1  }
0x4f: {  	s17 =	sadd.s32 @!p1 $0x3, s19;
	[tilespmem:v2+s22+$0x0 ss:$0x1] =	vst.idx.msk $0xffff, v1  }
0x50: {  	_ =	swait.ge @!p1 [sflag:s17], $0x2000  }
0x51: {  	[sflag:s17] =	ssyncset.done @!p1 $0x0  }
0x52: {  	[sflag:s17] =	ssyncadd.s32 @!p1 $0xFFFFE000;
	p1 =	sne.s32 s18, $0xD  }
.Ltmp5:
0x53: {  	_ = 	snop;
	(pc) =	sbr.rel @p1 .LBB2_4-.Ltmp5, $4  }
.Ltmp6:
0x54: {  	s29 =	sshll.u32 s19, $0xD;
	(pc) =	sbr.rel @!p1 .LBB2_8-.Ltmp6, $4  }
0x55: {  	s31 =	sadd.s32 $0x1, s19;
	s16 =	sadd.s32 $0x80, s16;
	s15 =	sadd.s32 $0x80, s15  }
0x56: {  	p0 =	por !p0, !p0;
	s30 =	sor.u32 $0x780, s29;
	s17 =	smov.u32 s18  }
0x57: {  	[tilespmem:s30], [sflag:s31] =	stream.indirect.gather [hbm4b:s3+s13], $0x40, s20, s13, $0xb8;
	[tilespmem:$0x4780] =	vst v63  }
0x58: {  	_ = 	snop  }
.LBB2_9:
0x59: {  	_ =	sfence.sel $0x180000  }
0x5a: {  	[bflag:$0x0] =	sbarrier.arrive $0xFFFF  }
0x5b: {  	p0 =	sne.s32 s0, $0x0;
	_ =	strace $0x9000004A  }
0x5c: {  	s0 =	sadd.s32 @!p0 $0x100000, s1;
	[bflag:$0x2] =	sbarrier.arrive $0xFFFF  }
0x5d: {  	[sflag:s0] =	ssyncadd.tile.s32 @!p0 $0x1;
	_ =	shalt  }
.Lfunc_end2:
_tile_overlayer_lowered:
.L_overlay_start_2:
0x5e: {  	(tag) =	ssettag $0x2  }
0x5f: {  	s0 =	rddreg [dreg:$0x0];
	s2 =	stileid.u32  }
0x60: {  	s1 =	rddreg [dreg:$0x1];
	p0 =	sne.s32 s2, $0x0  }
0x61: {  	s3 =	rddreg [dreg:$0x2];
	[bflag:$0x3] =	sbarrier.arrive $0xFFFF;
	s2 =	simm.s32 @!p0 $0x1C05  }
0x62: {  	[timem:s3], [sflag:s2] =	dma.local @!p0 [hbm:s0], s1  }
0x63: {  	s0 =	simm.s32 @!p0 $0x5  }
0x64: {  	_ =	swait.ge @!p0 [sflag:s0], s1  }
0x65: {  	s1 =	ssub.s32 @!p0 $0x0, s1;
	[sflag:s0] =	ssyncset.done @!p0 $0x0  }
0x66: {  	[sflag:s0] =	ssyncadd.s32 @!p0 s1  }
0x67: {  	[bflag:$0x3] =	sbarrier.arrive $0xFFFF  }
0x68: {  	_ =	shalt  }

// kernel: kernel.9.cloned.1.call-start
scs
__scs_entry_jumppad:
0x0: {  	(pc) =	sbr.rel $0x88, $3  }
0x1: {  	(tag) =	ssettag $0x0;
	lr =	simm.s32 $0x1  }
0x2: {  	[smem:$0x3F8E] =	sst lr;
	_ =	strace $0xD0000000  }
0x3: {  	_ = 	snop  }
0x4: {  	_ = 	snop  }
0x5: {  	_ = 	snop  }
0x6: {  	_ = 	snop  }
0x7: {  	_ = 	snop  }
__scs_overlays_trampoline_lowered:
0x8: {  	[smem:$0x3F9D] =	sst s0  }
0x9: {  	[smem:$0x3F9E] =	sst s1  }
0xa: {  	[smem:$0x3F9F] =	sst s2  }
0xb: {  	[smem:$0x3FA0] =	sst s3  }
0xc: {  	[smem:$0x3FA1] =	sst s4  }
0xd: {  	[smem:$0x3FA2] =	sst s5  }
0xe: {  	[smem:$0x3FA3] =	sst s6  }
0xf: {  	[smem:$0x3FA4] =	sst s7  }
0x10: {  	[smem:$0x3FA5] =	sst s8  }
0x11: {  	[smem:$0x3FA6] =	sst s9;
	s0 =	simm.s32 @!p0 $0x0  }
0x12: {  	s1 =	sld [smem:$0x3F8C];
	s0 =	simm.s32 @p0 $0x1  }
0x13: {  	[smem:$0x3FA7] =	sst s0;
	s0 =	simm.s32 @!p1 $0x0  }
0x14: {  	s2 =	sld [smem:$0x3F8B];
	s0 =	simm.s32 @p1 $0x1  }
0x15: {  	[smem:$0x3FA8] =	sst s0;
	s0 =	simm.s32 @!p2 $0x0  }
0x16: {  	s3 =	sld [smem:$0x3FDB];
	s0 =	simm.s32 @p2 $0x1  }
0x17: {  	s4 =	simm.s32 $0x1BF5;
	[smem:$0x3FAA] =	sst s0  }
0x18: {  	s0 =	sld [smem:$0x3F8D];
	_ =	swait.ge [sflag:s4], $0x0  }
0x19: {  	s7 =	sld [smem:$0x3F8E]  }
0x1a: {  	s8 =	sadd.s32 $0xFFFFE003, lr  }
0x1b: {  	s9 =	sadd.s32 $0xFFFFFEF7, lr;
	s5 =	simm.s32 $0xFFFFFFFF;
	p2 =	slt.u32 s8, $0xFFFFF086  }
0x1c: {  	p1 =	slt.u32 s9, $0xF7A;
	s5 =	simm.s32 @!p2 $0x0  }
0x1d: {  	s5 =	simm.s32 @p1 $0x1;
	p0 =	seq.s32 s7, s2  }
0x1e: {  	s7 =	smul.u32 @!p0 $0xF7A, s2;
	p2 =	seq.s32 @!p0 s5, $0x0  }
0x1f: {  	s9 =	smul.u32 $0xF7A, s1;
	s8 =	simm.s32 @!p0 $0x1BF5;
	p2 =	por !p2, p0  }
0x20: {  	[sflag:s8] =	ssyncset.s32 @!p0 $0xFFFFF086;
	s6 =	sadd.s32 @!p0 s3, s7;
	s7 =	simm.s32 @!p0 $0x108  }
0x21: {  	s3 =	sadd.s32 s3, s9;
	s6 =	sadd.s32 @!p0 $0x88, s6;
	s7 =	simm.s32 @p2 $0x1082  }
0x22: {  	[simem:s7], [sflag:s8] =	dma.local @!p0 [hbm:s6], $0xF7A  }
0x23: {  	s9 =	sor.u32 $0xD0000000, s2;
	s6 =	simm.s32 $0x108;
	_ =	swait.ge @!p0 [sflag:s8], $0x0  }
0x24: {  	s3 =	sadd.s32 $0x88, s3;
	s6 =	simm.s32 @!p1 $0x1082;
	[sflag:s4] =	ssyncset.s32 $0xFFFFF086  }
0x25: {  	[simem:s6], [sflag:s4] =	dma.local [hbm:s3], $0xF7A  }
0x26: {  	[smem:$0x3F8E] =	sst s1;
	(tag) =	ssettag s2;
	_ =	strace s9  }
0x27: {  	s1 =	sld [smem:$0x3F9E]  }
0x28: {  	s2 =	sld [smem:$0x3F9F]  }
0x29: {  	s4 =	sld [smem:$0x3FA1]  }
0x2a: {  	p0 =	seq.s32 s5, $0x0;
	s5 =	sld [smem:$0x3FA2]  }
0x2b: {  	s6 =	sld [smem:$0x3FA3]  }
0x2c: {  	s7 =	sld [smem:$0x3FA4]  }
0x2d: {  	s3 =	simm.s32 $0x108;
	s8 =	sld [smem:$0x3FA5]  }
0x2e: {  	s3 =	simm.s32 @!p0 $0x1082;
	s9 =	sld [smem:$0x3FA6]  }
0x2f: {  	lr =	sadd.s32 s0, s3;
	s0 =	sld [smem:$0x3F9D]  }
0x30: {  	s3 =	sld [smem:$0x3FA0]  }
0x31: {  	[smem:$0x3FA9] =	sst s10  }
0x32: {  	s10 =	sld [smem:$0x3FA7];
	_ =	sdelay $0x3  }
0x33: {  	p0 =	seq.s32 s10, $0x1;
	s10 =	sld [smem:$0x3FA9];
	_ =	sdelay $0x3  }
0x34: {  	[smem:$0x3FA9] =	sst s10  }
0x35: {  	s10 =	sld [smem:$0x3FA8];
	_ =	sdelay $0x3  }
0x36: {  	p1 =	seq.s32 s10, $0x1;
	s10 =	sld [smem:$0x3FA9];
	_ =	sdelay $0x3  }
0x37: {  	[smem:$0x3FA9] =	sst s10  }
0x38: {  	s10 =	sld [smem:$0x3FAA]  }
0x39: {  	_ = 	snop;
	(pc) =	sbr.ind lr, $3  }
0x3a: {  	_ = 	snop  }
0x3b: {  	_ = 	snop  }
0x3c: {  	p2 =	seq.s32 s10, $0x1;
	s10 =	sld [smem:$0x3FA9]  }
0x3d: {  	_ =	shalt  }
0x3e: {  	_ =	shalt  }
0x3f: {  	_ =	shalt  }
0x40: {  	_ =	shalt  }
0x41: {  	_ =	shalt  }
0x42: {  	_ =	shalt  }
0x43: {  	_ =	shalt  }
0x44: {  	_ =	shalt  }
0x45: {  	_ =	shalt  }
0x46: {  	_ =	shalt  }
0x47: {  	_ =	shalt  }
0x48: {  	_ =	shalt  }
0x49: {  	_ =	shalt  }
0x4a: {  	_ =	shalt  }
0x4b: {  	_ =	shalt  }
0x4c: {  	_ =	shalt  }
0x4d: {  	_ =	shalt  }
0x4e: {  	_ =	shalt  }
0x4f: {  	_ =	shalt  }
0x50: {  	_ =	shalt  }
0x51: {  	_ =	shalt  }
0x52: {  	_ =	shalt  }
0x53: {  	_ =	shalt  }
0x54: {  	_ =	shalt  }
0x55: {  	_ =	shalt  }
0x56: {  	_ =	shalt  }
0x57: {  	_ =	shalt  }
0x58: {  	_ =	shalt  }
0x59: {  	_ =	shalt  }
0x5a: {  	_ =	shalt  }
0x5b: {  	_ =	shalt  }
0x5c: {  	_ =	shalt  }
0x5d: {  	_ =	shalt  }
0x5e: {  	_ =	shalt  }
0x5f: {  	_ =	shalt  }
0x60: {  	_ =	shalt  }
0x61: {  	_ =	shalt  }
0x62: {  	_ =	shalt  }
0x63: {  	_ =	shalt  }
0x64: {  	_ =	shalt  }
0x65: {  	_ =	shalt  }
0x66: {  	_ =	shalt  }
0x67: {  	_ =	shalt  }
0x68: {  	_ =	shalt  }
0x69: {  	_ =	shalt  }
0x6a: {  	_ =	shalt  }
0x6b: {  	_ =	shalt  }
0x6c: {  	_ =	shalt  }
0x6d: {  	_ =	shalt  }
0x6e: {  	_ =	shalt  }
0x6f: {  	_ =	shalt  }
0x70: {  	_ =	shalt  }
0x71: {  	_ =	shalt  }
0x72: {  	_ =	shalt  }
0x73: {  	_ =	shalt  }
0x74: {  	_ =	shalt  }
0x75: {  	_ =	shalt  }
0x76: {  	_ =	shalt  }
0x77: {  	_ =	shalt  }
0x78: {  	_ =	shalt  }
0x79: {  	_ =	shalt  }
0x7a: {  	_ =	shalt  }
0x7b: {  	_ =	shalt  }
0x7c: {  	_ =	shalt  }
0x7d: {  	_ =	shalt  }
0x7e: {  	_ =	shalt  }
0x7f: {  	_ =	shalt  }
0x80: {  	_ =	shalt  }
0x81: {  	_ =	shalt  }
0x82: {  	_ =	shalt  }
0x83: {  	_ =	shalt  }
0x84: {  	_ =	shalt  }
0x85: {  	_ =	shalt  }
0x86: {  	_ =	shalt  }
0x87: {  	_ =	shalt  }
.Lfunc_end0:
.L_simem_size_0:
called_computation.1_lowered:
.L_overlay_start_0:
0x88: {  	s2 =	sld [smem:$0x3FD9]  }
0x89: {  	s3 =	sld [smem:$0x3FFE];
	_ =	sdelay $0x1  }
0x8a: {  	s1 =	srdreg.scid  }
0x8b: {  	s0 =	sand.u32 $0x1, s1  }
0x8c: {  	s16 =	sshll.u32 s0, $0xA;
	s2 =	sadd.s32 s3, s2  }
0x8d: {  	s2 =	sadd.s32 s2, s16  }
0x8e: {  	[smem:$0x3FB5] =	sst s2  }
0x8f: {  	_ = 	snop  }
0x90: {  	(tm) =	ssettm $0x1  }
0x91: {  	s17 =	sld [smem:$0x3FFB];
	_ =	sdelay $0x3  }
0x92: {  	_ =	strace s17  }
0x93: {  	s2 =	sld [smem:$0x3FFC];
	_ =	sdelay $0x3  }
0x94: {  	_ =	strace s2  }
0x95: {  	s2 =	sld [smem:$0x3FFD];
	_ =	sdelay $0x3  }
0x96: {  	_ =	strace s2  }
0x97: {  	_ =	strace $0x8FFFFFFF  }
0x98: {  	s18 =	sld [smem:$0x3FDB];
	_ =	sdelay $0x1  }
0x99: {  	s19 =	simm.s32 $_scs_section_size  }
0x9a: {  	s4 =	simm.s32 $_size__tile_overlayer_lowered;
	s5 =	simm.s32 $_tile_overlayer_lowered  }
0x9b: {  	s22 =	simm.s32 $0x1BFF;
	s21 =	sshll.u32 s5, $0x1;
	s2 =	sadd.s32 s19, s18  }
0x9c: {  	s6 =	simm.s32 $0x0;
	s20 =	sshll.u32 s4, $0x1;
	s4 =	sadd.s32 s21, s2  }
0x9d: {  	[timem:s6], [sflag:s22] =	dma.local [hbm:s4], s20  }
0x9e: {  	_ =	swait.ge [sflag:s22], s20  }
0x9f: {  	s3 =	ssub.s32 $0x0, s20;
	[sflag:s22] =	ssyncset.done $0x0  }
0xa0: {  	[sflag:s22] =	ssyncadd.s32 s3;
	_ =	sdelay $0x1  }
0xa1: {  	s23 =	simm.s32 $0x1B8B  }
0xa2: {  	_ =	swait.ge [sflag:s23], $0x1  }
0xa3: {  	[sflag:s23] =	ssyncset.done $0x0  }
0xa4: {  	s25 =	simm.s32 $0x1B8E;
	s24 =	sld [smem:$0x3FFE];
	[sflag:s23] =	ssyncadd.s32 $0xFFFFFFFF  }
0xa5: {  	s26 =	simm.s32 $execute0_lowered;
	[smem:$0x3FD2] =	sst s25  }
0xa6: {  	s4 =	sshll.u32 s26, $0x1;
	_ =	strace $0x80000046;
	[dreg:$0x1] =	wrdreg $0xFFFFFFFF  }
0xa7: {  	s28 =	simm.s32 $_size_execute0_lowered;
	s2 =	sadd.s32 s2, s4;
	[dreg:$0x0] =	wrdreg $0x0  }
0xa8: {  	s4 =	sshll.u32 s28, $0x1;
	[dreg:$0x2] =	wrdreg s2  }
0xa9: {  	[dreg:$0x3] =	wrdreg s4  }
0xaa: {  	[dreg:$0x4] =	wrdreg $0xC0  }
0xab: {  	_ =	task [dreg:s6], $0x5FFFF  }
0xac: {  	[dreg:$0x1] =	wrdreg $0xFFFFFFFF  }
0xad: {  	[dreg:$0x0] =	wrdreg $0x60  }
0xae: {  	[dreg:$0x2] =	wrdreg s24  }
0xaf: {  	[dreg:$0x3] =	wrdreg $0xA  }
0xb0: {  	_ =	task.clear_ibuf [dreg:s6], $0x4FFFF;
	_ =	strace $0x90000046  }
0xb1: {  	s29 =	simm.s32 $0xA;
	_ =	strace $0x80000048  }
0xb2: {  	_ =	swait.ge [sflag:s29], $0x1  }
0xb3: {  	[sflag:s29] =	ssyncadd.s32 $0xFFFFFFFF  }
0xb4: {  	_ =	strace $0x90000048  }
0xb5: {  	_ =	sfence  }
0xb6: {  	s30 =	sld [smem:$0x0];
	_ =	sdelay $0x2  }
0xb7: {  	s31 =	sshll.u32 s1, $0xD;
	s1 =	sshrl.u32 s1, $0x2  }
0xb8: {  	s3 =	sand.u32 $0x4000, s31;
	s1 =	sadd.s32 s1, s30  }
0xb9: {  	s0 =	sor.u32 s3, s0;
	s1 =	sshll.u32 s1, $0x11  }
0xba: {  	s0 =	sor.u32 s1, s0  }
0xbb: {  	s0 =	sadd.s32 $0x8F2B, s0  }
0xbc: {  	[sflag:s0] =	ssyncadd.remote.s32 $0x1  }
0xbd: {  	_ =	sfence.sel $0xFFFF  }
0xbe: {  	[dreg:$0x0] =	wrdreg $0xFFFFFFFF;
	(pc) =	sbr.abs _section_cstart, $3  }
0xbf: {  	[dreg:$0x1] =	wrdreg $0xFFFFFFFF  }
0xc0: {  	_ =	task.clear_ibuf [dreg:s6], $0x2FFFF;
	_ =	strace $0x9FFFFFFF  }
0xc1: {  	(tm) =	ssettm $0x7FFFFFFF  }
tec
execute0_lowered:
.L_overlay_start_1:
0x0: {  	(tag) =	ssettag $0x1  }
0x1: {  	s1 =	srdreg.scid  }
0x2: {  	s0 =	stileid.u32;
	s4 =	rddreg [dreg:$0x0];
	s2 =	simm.s32 $0x0  }
0x3: {  	s9 =	simm.s32 $0x680;
	s10 =	simm.s32 $0x780;
	s11 =	simm.s32 $0x3  }
0x4: {  	s12 =	simm.s32 $0x4;
	s13 =	simm.s32 $0x80;
	s14 =	simm.s32 $0x0  }
0x5: {  	s3 =	sand.u32 $0x1, s1;
	s5 =	sshll.u32 s0, $0x1;
	s1 =	rddreg [dreg:$0x1]  }
.Ltmp0:
0x6: {  	[smem:$0x7FF] =	sst s2;
	s6 =	sor.u32 s3, s5;
	(pc) =	sbr.rel .LBB2_1-.Ltmp0, $4  }
0x7: {  	_ =	strace $0x80000047;
	s7 =	ssub.s32 $0x2, s3;
	s5 =	smul.u32 $0xD0, s6  }
0x8: {  	s3 =	sadd.s32 $0x4E00, s4;
	s8 =	sshrl.u32 s7, $0x1;
	s6 =	smul.u32 $0x1A000, s6  }
0x9: {  	s7 =	ssub.s32 s7, s8;
	s8 =	simm.s32 $0x5;
	s5 =	sadd.s32 s5, s4  }
0xa: {  	v0 =	vlaneseq.u32;
	s4 =	sadd.s32 $0x37C00, s4;
	s7 =	smax.u32 s7, $0x1;
	s5 =	sadd.s32 $0x3400, s5  }
.LBB2_8:
0xb: {  	s14 =	sadd.s32 $0x1, s14  }
0xc: {  	_ =	swait.ge [sflag:s11], $0x2000;
	p0 =	sne.s32 s14, s7  }
.Ltmp1:
0xd: {  	[sflag:s11] =	ssyncset.done $0x0;
	(pc) =	sbr.rel @!p0 .LBB2_9-.Ltmp1, $4  }
0xe: {  	[sflag:s11] =	ssyncadd.s32 $0xFFFFE000  }
0xf: {  	_ =	swait.ge [sflag:s12], $0x2000  }
0x10: {  	[sflag:s12] =	ssyncset.done $0x0  }
0x11: {  	[sflag:s12] =	ssyncadd.s32 $0xFFFFE000  }
.LBB2_1:
0x12: {  	[tilespmem:s2], [sflag:$0x5] =	stream.linear.gather [hbm4b:s5+s2], $0x680, $0x38;
	v1 =	vor.u32 s2, v0;
	[tilespmem:$0x4780] =	vst v63  }
0x13: {  	_ =	swait.ge [sflag:s8], $0x680;
	v2 =	vmulhi.u32 $0x4EC4EC4F, v1  }
0x14: {  	[sflag:s8] =	ssyncset.done $0x0  }
0x15: {  	[sflag:s8] =	ssyncadd.s32 $0xFFFFF980;
	v2 =	vshrl.u32 v2, $0x3  }
0x16: {  	s15 =	simm.s32 $0x10;
	v3 =	vld [tilespmem:s2+$0x0];
	v2 =	vmul.u32 $0x1A, v2  }
0x17: {  	v4 =	vor.u32 s15, v0  }
0x18: {  	v5 =	vmulhi.u32 $0x4EC4EC4F, v4;
	v1 =	vsub.s32 v1, v2  }
0x19: {  	v1 =	vmul.u32 $0x3E8, v1  }
0x1a: {  	v2 =	vshrl.u32 v5, $0x3  }
0x1b: {  	v2 =	vmul.u32 $0x1A, v2;
	v1 =	vadd.s32 v1, v3  }
0x1c: {  	[tilespmem:s9+$0x0] =	vst v1  }
0x1d: {  	v3 =	vsub.s32 v4, v2;
	v2 =	vld [tilespmem:s15+$0x0];
	_ =	sdelay $0x1  }
0x1e: {  	s16 =	simm.s32 $0x20  }
0x1f: {  	s17 =	simm.s32 $0x30;
	v1 =	vor.u32 s16, v0;
	v3 =	vmul.u32 $0x3E8, v3;
	s16 =	simm.s32 $0x680  }
.LBB2_2:
0x20: {  	p0 =	sne.s32 s17, $0x70;
	v4 =	vmulhi.u32 $0x4EC4EC4F, v1  }
0x21: {  	s16 =	sadd.s32 $0x10, s16;
	v2 =	vadd.s32 v3, v2  }
.Ltmp2:
0x22: {  	s15 =	sadd.s32 $0x10, s15;
	v3 =	vshrl.u32 v4, $0x3;
	[tilespmem:s16+$0x0] =	vst v2;
	(pc) =	sbr.rel @p0 .LBB2_2-.Ltmp2, $3  }
0x23: {  	v2 =	vld [tilespmem:s15+$0x0];
	v3 =	vmul.u32 $0x1A, v3;
	_ =	sdelay $0x1  }
0x24: {  	v3 =	vsub.s32 v1, v3  }
0x25: {  	v1 =	vor.u32 s17, v0;
	s17 =	sadd.s32 $0x10, s17;
	v3 =	vmul.u32 $0x3E8, v3  }
0x26: {  	v4 =	vmulhi.u32 $0x4EC4EC4F, v1  }
0x27: {  	s16 =	sadd.s32 $0x10, s16;
	v2 =	vadd.s32 v3, v2  }
0x28: {  	s15 =	sadd.s32 $0x10, s15;
	v3 =	vshrl.u32 v4, $0x3;
	[tilespmem:s16+$0x0] =	vst v2  }
0x29: {  	v2 =	vld [tilespmem:s15+$0x0];
	v3 =	vmul.u32 $0x1A, v3;
	_ =	sdelay $0x1  }
0x2a: {  	v1 =	vsub.s32 v1, v3  }
0x2b: {  	v1 =	vmul.u32 $0x3E8, v1;
	_ =	sdelay $0x1  }
0x2c: {  	s17 =	simm.s32 $0x0;
	s31 =	sadd.s32 $0x10, s16;
	v1 =	vadd.s32 v1, v2  }
0x2d: {  	p0 =	por $0x1, $0x1;
	s16 =	simm.s32 $0x80;
	s15 =	simm.s32 $0x80;
	[tilespmem:s31+$0x0] =	vst v1  }
0x2e: {  	[tilespmem:s10], [sflag:$0x1] =	stream.indirect.gather [hbm4b:s3+s15], $0x40, s9, s15, $0xb8;
	[tilespmem:$0x4780] =	vst v63  }
.LBB2_4:
0x2f: {  	s18 =	sand.u32 $0x1, s17;
	p1 =	seq.s32 s17, $0xC  }
.Ltmp3:
0x30: {  	s20 =	sshll.u32 s17, $0xD;
	s19 =	sadd.s32 $0x1, s18;
	(pc) =	sbr.rel @p1 .LBB2_8-.Ltmp3, $4  }
0x31: {  	s20 =	sadd.s32 s6, s20;
	s31 =	sshll.u32 s18, $0xD;
	_ =	swait.ge [sflag:s19], $0x2000  }
0x32: {  	s21 =	sadd.s32 $0x3, s18;
	s20 =	sshrl.u32 s20, $0x3;
	[sflag:s19] =	ssyncset.done $0x0  }
0x33: {  	s20 =	sadd.s32 s4, s20;
	[sflag:s19] =	ssyncadd.s32 $0xFFFFE000;
	s19 =	sor.u32 $0x780, s31  }
0x34: {  	[hbm4b:s20+s2] =	stream.linear.scatter [tilespmem:s19], [sflag:s21], $0x2000, $0x38;
	[tilespmem:$0x4780] =	vst v63  }
0x35: {  	v2 =	vor.u32 s15, v0;
	v1 =	vmov s16  }
0x36: {  	v3 =	vmulhi.u32 $0x4EC4EC4F, v2  }
0x37: {  	s19 =	simm.s32 $0x1  }
0x38: {  	s19 =	simm.s32 @!p0 $0x0;
	v3 =	vshrl.u32 v3, $0x3  }
0x39: {  	s21 =	simm.s32 $0x0;
	s19 =	sshll.u32 s19, $0x7;
	v3 =	vmul.u32 $0x1A, v3  }
0x3a: {  	s23 =	sadd.s32 $0x680, s19;
	v4 =	vld.idx.msk [tilespmem:v1+s21+$0x0 ss:$0x1], $0xffff  }
0x3b: {  	v3 =	vsub.s32 v2, v3;
	v2 =	vmov s23  }
0x3c: {  	s19 =	sxor.u32 $0x1, s18  }
0x3d: {  	s22 =	sadd.s32 $0x10, s15;
	s24 =	simm.s32 $0x80;
	s20 =	sshll.u32 s19, $0x7;
	v5 =	vmul.u32 $0x3E8, v3  }
0x3e: {  	s18 =	sadd.s32 $0x1, s17;
	s20 =	sadd.s32 $0x680, s20;
	s23 =	simm.s32 $0x40;
	v3 =	vor.u32 s22, v0  }
.LBB2_6:
0x3f: {  	p1 =	sne.s32 s24, $0x1C0;
	v6 =	vmulhi.u32 $0x4EC4EC4F, v3;
	v4 =	vadd.s32 v5, v4  }
0x40: {  	[tilespmem:v2+s21+$0x0 ss:$0x1] =	vst.idx.msk $0xffff, v4;
	s21 =	sshra.s32 s23, $0x2;
	s23 =	smov.u32 s24  }
0x41: {  	v4 =	vld.idx.msk [tilespmem:v1+s21+$0x0 ss:$0x1], $0xffff;
	v5 =	vshrl.u32 v6, $0x3  }
.Ltmp4:
0x42: {  	v5 =	vmul.u32 $0x1A, v5;
	(pc) =	sbr.rel @p1 .LBB2_6-.Ltmp4, $4  }
0x43: {  	_ = 	snop  }
0x44: {  	v3 =	vsub.s32 v3, v5  }
0x45: {  	s22 =	sadd.s32 $0x10, s22;
	v5 =	vmul.u32 $0x3E8, v3  }
0x46: {  	s24 =	sadd.s32 $0x40, s24;
	v3 =	vor.u32 s22, v0  }
0x47: {  	_ =	sdelay $0x1  }
0x48: {  	v6 =	vmulhi.u32 $0x4EC4EC4F, v3  }
0x49: {  	v4 =	vadd.s32 v5, v4  }
0x4a: {  	s22 =	sshra.s32 s23, $0x2;
	[tilespmem:v2+s21+$0x0 ss:$0x1] =	vst.idx.msk $0xffff, v4;
	v63 =	vshrl.u32 v6, $0x3  }
0x4b: {  	v1 =	vld.idx.msk [tilespmem:v1+s22+$0x0 ss:$0x1], $0xffff;
	v4 =	vmul.u32 $0x1A, v63;
	_ =	sdelay $0x1  }
0x4c: {  	v3 =	vsub.s32 v3, v4  }
0x4d: {  	v3 =	vmul.u32 $0x3E8, v3;
	_ =	sdelay $0x1  }
0x4e: {  	p1 =	seq.s32 s17, $0x0;
	v1 =	vadd.s32 v3, v1  }
0x4f: {  	s17 =	sadd.s32 @!p1 $0x3, s19;
	[tilespmem:v2+s22+$0x0 ss:$0x1] =	vst.idx.msk $0xffff, v1  }
0x50: {  	_ =	swait.ge @!p1 [sflag:s17], $0x2000  }
0x51: {  	[sflag:s17] =	ssyncset.done @!p1 $0x0  }
0x52: {  	[sflag:s17] =	ssyncadd.s32 @!p1 $0xFFFFE000;
	p1 =	sne.s32 s18, $0xD  }
.Ltmp5:
0x53: {  	_ = 	snop;
	(pc) =	sbr.rel @p1 .LBB2_4-.Ltmp5, $4  }
.Ltmp6:
0x54: {  	s29 =	sshll.u32 s19, $0xD;
	(pc) =	sbr.rel @!p1 .LBB2_8-.Ltmp6, $4  }
0x55: {  	s31 =	sadd.s32 $0x1, s19;
	s16 =	sadd.s32 $0x80, s16;
	s15 =	sadd.s32 $0x80, s15  }
0x56: {  	p0 =	por !p0, !p0;
	s30 =	sor.u32 $0x780, s29;
	s17 =	smov.u32 s18  }
0x57: {  	[tilespmem:s30], [sflag:s31] =	stream.indirect.gather [hbm4b:s3+s13], $0x40, s20, s13, $0xb8;
	[tilespmem:$0x4780] =	vst v63  }
0x58: {  	_ = 	snop  }
.LBB2_9:
0x59: {  	_ =	sfence.sel $0x180000  }
0x5a: {  	[bflag:$0x0] =	sbarrier.arrive $0xFFFF  }
0x5b: {  	p0 =	sne.s32 s0, $0x0;
	_ =	strace $0x90000047  }
0x5c: {  	s0 =	sadd.s32 @!p0 $0x100000, s1;
	[bflag:$0x2] =	sbarrier.arrive $0xFFFF  }
0x5d: {  	[sflag:s0] =	ssyncadd.tile.s32 @!p0 $0x1;
	_ =	shalt  }
.Lfunc_end2:
_tile_overlayer_lowered:
.L_overlay_start_2:
0x5e: {  	(tag) =	ssettag $0x2  }
0x5f: {  	s0 =	rddreg [dreg:$0x0];
	s2 =	stileid.u32  }
0x60: {  	s1 =	rddreg [dreg:$0x1];
	p0 =	sne.s32 s2, $0x0  }
0x61: {  	s3 =	rddreg [dreg:$0x2];
	[bflag:$0x3] =	sbarrier.arrive $0xFFFF;
	s2 =	simm.s32 @!p0 $0x1C05  }
0x62: {  	[timem:s3], [sflag:s2] =	dma.local @!p0 [hbm:s0], s1  }
0x63: {  	s0 =	simm.s32 @!p0 $0x5  }
0x64: {  	_ =	swait.ge @!p0 [sflag:s0], s1  }
0x65: {  	s1 =	ssub.s32 @!p0 $0x0, s1;
	[sflag:s0] =	ssyncset.done @!p0 $0x0  }
0x66: {  	[sflag:s0] =	ssyncadd.s32 @!p0 s1  }
0x67: {  	[bflag:$0x3] =	sbarrier.arrive $0xFFFF  }
0x68: {  	_ =	shalt  }

</sc_bundles>
